<compile_context>
chip_gen: v7x
topology: tpu7x:2x2x1
jax: 0.10.2.dev20260603
libtpu: 0.0.44.dev20260713+nightly
codegen_flags: <defaults>
</compile_context>

<pallas_src>
import functools

import jax
import jax.numpy as jnp
from jax import lax
from jax.experimental import pallas as pl
from jax.experimental.pallas import tpu as pltpu
from jax.experimental.pallas import tpu_sc as plsc

NUM_Q = 100000
D = 256

CH = 200
SLOTS = 2
NCHUNKS = NUM_Q // CH
NW = 32
PER_W = -(-NCHUNKS // NW)
LAST = NCHUNKS - 1
EXTRA = NCHUNKS - (NCHUNKS // NW) * NW


def _sc_body(src, dst, buf, lsem, ssem):
    wid = lax.axis_index("s") * 2 + lax.axis_index("c")
    has_extra = wid < EXTRA

    def chunk_ds(k):
        j = jnp.minimum(wid + k * NW, LAST)
        return pl.ds(j * CH, CH)

    def run(k, op):
        if k == PER_W - 1:
            @pl.when(has_extra)
            def _():
                op()
        else:
            op()

    def load(k, slot):
        c = pltpu.make_async_copy(src.at[chunk_ds(k)], buf.at[slot],
                                  lsem.at[slot])
        run(k, c.start)
        return c

    def store(k, slot):
        c = pltpu.make_async_copy(buf.at[slot], dst.at[chunk_ds(k)],
                                  ssem.at[slot])
        run(k, c.start)
        return c

    loads = [None] * PER_W
    stores = [None] * PER_W
    loads[0] = load(0, 0)
    for k in range(PER_W):
        slot = k % SLOTS
        if k + 1 < PER_W:
            if k + 1 - SLOTS >= 0:
                stores[k + 1 - SLOTS].wait()
            loads[k + 1] = load(k + 1, (k + 1) % SLOTS)
        run(k, loads[k].wait)
        stores[k] = store(k, slot)
    for j in range(max(0, PER_W - SLOTS), PER_W):
        run(j, stores[j].wait)


def _sc_copy(table):
    out = jax.ShapeDtypeStruct((NUM_Q, D), jnp.float32)
    mesh = plsc.VectorSubcoreMesh(core_axis_name="c", subcore_axis_name="s")
    k = functools.partial(
        pl.kernel,
        out_type=out,
        mesh=mesh,
        scratch_types=[
            pltpu.VMEM((SLOTS, CH, D), jnp.float32),
            pltpu.SemaphoreType.DMA((SLOTS,)),
            pltpu.SemaphoreType.DMA((SLOTS,)),
        ],
    )(_sc_body)
    return k(table)


BLOCK = 5000
GRID = NUM_Q // BLOCK


def _tc_body(src, dst):
    dst[...] = src[...]


def _tc_copy(table):
    out = jax.ShapeDtypeStruct((NUM_Q, D), jnp.float32)
    spec = pl.BlockSpec((BLOCK, D), lambda i: (i, 0))
    return pl.pallas_call(
        _tc_body,
        grid=(GRID,),
        in_specs=[spec],
        out_specs=spec,
        out_shape=out,
    )(table)


def kernel(batch_size, query_embed_weight, query_pos_weight):
    query_embed = _tc_copy(query_embed_weight)
    query_pos = _sc_copy(query_pos_weight)
    return (query_embed, query_pos)

# --- scband reference (transcript-rebuilt; emitter-appended) ---
"""Pipeline reference for scband-query-initializer-44538810860261 (READ-ONLY COPY).

The authoritative reference and input builder live on the scoring server;
editing this copy changes nothing except your own understanding.
"""

import jax, jax.numpy as jnp
import numpy as np

NUM_QUERIES = 100000
D_MODEL = 256


def setup_inputs(seed: int = 0) -> dict:
    key = jax.random.key(seed)
    k1, k2 = jax.random.split(key)
    query_embed_weight = jax.random.normal(k1, (NUM_QUERIES, D_MODEL), dtype=jnp.float32)
    query_pos_weight = jax.random.normal(k2, (NUM_QUERIES, D_MODEL), dtype=jnp.float32)
    return {
        "batch_size": 1024,
        "query_embed_weight": query_embed_weight,
        "query_pos_weight": query_pos_weight,
    }


def reference(batch_size, query_embed_weight, query_pos_weight):
    # init_method == 'learned': gather all rows of both embedding tables
    indices = jnp.arange(NUM_QUERIES)
    query_embed = jnp.take(query_embed_weight, indices, axis=0)
    query_pos = jnp.take(query_pos_weight, indices, axis=0)
    return (query_embed, query_pos)

if __name__ == "__main__":
    import jax
    _d = setup_inputs()
    print(jax.jit(kernel)(*tuple(_d.values())))

</pallas_src>

<mosaic_0001>
#map = affine_map<(d0, d1) -> (0, 0)>
module attributes {stable_mosaic.version = 14 : i64} {
  func.func @_sc_body(%arg0: i32, %arg1: i32, %arg2: memref<100000x256xf32, #tpu.memory_space<hbm>>, %arg3: memref<100000x256xf32, #tpu.memory_space<hbm>>, %arg4: memref<2x200x256xf32, #tpu.memory_space<vmem>>, %arg5: memref<2x!tpu.dma_semaphore, #tpu.memory_space<semaphore_mem>>, %arg6: memref<2x!tpu.dma_semaphore, #tpu.memory_space<semaphore_mem>>) attributes {dimension_semantics = [#tpu.dimension_semantics<core_parallel>, #tpu.dimension_semantics<subcore_parallel>], iteration_bounds = array<i64: 2, 16>, scalar_prefetch = 0 : i64, scratch_operands = 3 : i64, tpu.core_type = #tpu.core_type<sc_vector_subcore>, window_params = [{transform_indices = #map}, {transform_indices = #map}]} {
    %mul3A = arith.constant 2 : i32
    %mul3A_0 = arith.muli %arg1, %mul3A : i32
    %add3A = arith.addi %mul3A_0, %arg0 : i32
    %lt3A = arith.constant 20 : i32
    %lt3A_1 = arith.cmpi slt, %add3A, %lt3A : i32
    %add3A_2 = arith.constant 0 : i32
    %add3A_3 = arith.addi %add3A, %add3A_2 : i32
    %min3A = arith.constant 499 : i32
    %min3A_4 = arith.minsi %add3A_3, %min3A : i32
    %mul3A_5 = arith.constant 200 : i32
    %mul3A_6 = arith.muli %min3A_4, %mul3A_5 : i32
    %dma_start3A = arith.constant 0 : i32
    %dma_start3A_7 = arith.constant 0 : i32
    %dma_start3A_8 = arith.constant 0 : i32
    %dma_start3A_9 = arith.constant 0 : i32
    %dma_start3A_10 = tpu.memref_slice %arg4[%dma_start3A, %dma_start3A_8, %dma_start3A_9] : memref<2x200x256xf32, #tpu.memory_space<vmem>> -> memref<1x200x256xf32, #tpu.memory_space<vmem>>
    %dma_start3A_11 = tpu.memref_squeeze %dma_start3A_10 : memref<1x200x256xf32, #tpu.memory_space<vmem>> -> memref<200x256xf32, #tpu.memory_space<vmem>>
    %dma_start3A_12 = arith.constant 0 : i32
    %dma_start3A_13 = tpu.memref_slice %arg2[%mul3A_6, %dma_start3A_12] : memref<100000x256xf32, #tpu.memory_space<hbm>> -> memref<200x256xf32, #tpu.memory_space<hbm>>
    %dma_start3A_14 = tpu.memref_slice %arg5[%dma_start3A_7] : memref<2x!tpu.dma_semaphore, #tpu.memory_space<semaphore_mem>> -> memref<1x!tpu.dma_semaphore, #tpu.memory_space<semaphore_mem>>
    %dma_start3A_15 = tpu.memref_squeeze %dma_start3A_14 : memref<1x!tpu.dma_semaphore, #tpu.memory_space<semaphore_mem>> -> memref<!tpu.dma_semaphore, #tpu.memory_space<semaphore_mem>>
    %dma_start3A_16 = arith.constant 0 : i32
    %dma_start3A_17 = arith.constant 0 : i32
    %dma_start3A_18 = tpu.memref_slice %arg4[%dma_start3A, %dma_start3A_16, %dma_start3A_17] : memref<2x200x256xf32, #tpu.memory_space<vmem>> -> memref<1x200x256xf32, #tpu.memory_space<vmem>>
    %dma_start3A_19 = tpu.memref_squeeze %dma_start3A_18 : memref<1x200x256xf32, #tpu.memory_space<vmem>> -> memref<200x256xf32, #tpu.memory_space<vmem>>
    %dma_start3A_20 = arith.constant 0 : i32
    %dma_start3A_21 = tpu.memref_slice %arg2[%mul3A_6, %dma_start3A_20] : memref<100000x256xf32, #tpu.memory_space<hbm>> -> memref<200x256xf32, #tpu.memory_space<hbm>>
    tpu.enqueue_dma source(%dma_start3A_21 : memref<200x256xf32, #tpu.memory_space<hbm>>) target(%dma_start3A_19 : memref<200x256xf32, #tpu.memory_space<vmem>>) target_semaphore(%dma_start3A_15 : memref<!tpu.dma_semaphore, #tpu.memory_space<semaphore_mem>>)
    %add3A_22 = arith.constant 32 : i32
    %add3A_23 = arith.addi %add3A, %add3A_22 : i32
    %min3A_24 = arith.constant 499 : i32
    %min3A_25 = arith.minsi %add3A_23, %min3A_24 : i32
    %mul3A_26 = arith.constant 200 : i32
    %mul3A_27 = arith.muli %min3A_25, %mul3A_26 : i32
    %dma_start3A_28 = arith.constant 1 : i32
    %dma_start3A_29 = arith.constant 1 : i32
    %dma_start3A_30 = arith.constant 0 : i32
    %dma_start3A_31 = arith.constant 0 : i32
    %dma_start3A_32 = tpu.memref_slice %arg4[%dma_start3A_28, %dma_start3A_30, %dma_start3A_31] : memref<2x200x256xf32, #tpu.memory_space<vmem>> -> memref<1x200x256xf32, #tpu.memory_space<vmem>>
    %dma_start3A_33 = tpu.memref_squeeze %dma_start3A_32 : memref<1x200x256xf32, #tpu.memory_space<vmem>> -> memref<200x256xf32, #tpu.memory_space<vmem>>
    %dma_start3A_34 = arith.constant 0 : i32
    %dma_start3A_35 = tpu.memref_slice %arg2[%mul3A_27, %dma_start3A_34] : memref<100000x256xf32, #tpu.memory_space<hbm>> -> memref<200x256xf32, #tpu.memory_space<hbm>>
    %dma_start3A_36 = tpu.memref_slice %arg5[%dma_start3A_29] : memref<2x!tpu.dma_semaphore, #tpu.memory_space<semaphore_mem>> -> memref<1x!tpu.dma_semaphore, #tpu.memory_space<semaphore_mem>>
    %dma_start3A_37 = tpu.memref_squeeze %dma_start3A_36 : memref<1x!tpu.dma_semaphore, #tpu.memory_space<semaphore_mem>> -> memref<!tpu.dma_semaphore, #tpu.memory_space<semaphore_mem>>
    %dma_start3A_38 = arith.constant 0 : i32
    %dma_start3A_39 = arith.constant 0 : i32
    %dma_start3A_40 = tpu.memref_slice %arg4[%dma_start3A_28, %dma_start3A_38, %dma_start3A_39] : memref<2x200x256xf32, #tpu.memory_space<vmem>> -> memref<1x200x256xf32, #tpu.memory_space<vmem>>
    %dma_start3A_41 = tpu.memref_squeeze %dma_start3A_40 : memref<1x200x256xf32, #tpu.memory_space<vmem>> -> memref<200x256xf32, #tpu.memory_space<vmem>>
    %dma_start3A_42 = arith.constant 0 : i32
    %dma_start3A_43 = tpu.memref_slice %arg2[%mul3A_27, %dma_start3A_42] : memref<100000x256xf32, #tpu.memory_space<hbm>> -> memref<200x256xf32, #tpu.memory_space<hbm>>
    tpu.enqueue_dma source(%dma_start3A_43 : memref<200x256xf32, #tpu.memory_space<hbm>>) target(%dma_start3A_41 : memref<200x256xf32, #tpu.memory_space<vmem>>) target_semaphore(%dma_start3A_37 : memref<!tpu.dma_semaphore, #tpu.memory_space<semaphore_mem>>)
    %dma_wait3A = arith.constant 0 : i32
    %dma_wait3A_44 = arith.constant 0 : i32
    %dma_wait3A_45 = arith.constant 0 : i32
    %dma_wait3A_46 = arith.constant 0 : i32
    %dma_wait3A_47 = tpu.memref_slice %arg4[%dma_wait3A, %dma_wait3A_45, %dma_wait3A_46] : memref<2x200x256xf32, #tpu.memory_space<vmem>> -> memref<1x200x256xf32, #tpu.memory_space<vmem>>
    %dma_wait3A_48 = tpu.memref_squeeze %dma_wait3A_47 : memref<1x200x256xf32, #tpu.memory_space<vmem>> -> memref<200x256xf32, #tpu.memory_space<vmem>>
    %dma_wait3A_49 = arith.constant 0 : i32
    %dma_wait3A_50 = tpu.memref_slice %arg2[%mul3A_6, %dma_wait3A_49] : memref<100000x256xf32, #tpu.memory_space<hbm>> -> memref<200x256xf32, #tpu.memory_space<hbm>>
    %dma_wait3A_51 = tpu.memref_slice %arg5[%dma_wait3A_44] : memref<2x!tpu.dma_semaphore, #tpu.memory_space<semaphore_mem>> -> memref<1x!tpu.dma_semaphore, #tpu.memory_space<semaphore_mem>>
    %dma_wait3A_52 = tpu.memref_squeeze %dma_wait3A_51 : memref<1x!tpu.dma_semaphore, #tpu.memory_space<semaphore_mem>> -> memref<!tpu.dma_semaphore, #tpu.memory_space<semaphore_mem>>
    %dma_wait3A_53 = arith.constant 0 : i32
    %dma_wait3A_54 = arith.constant 0 : i32
    %dma_wait3A_55 = tpu.memref_slice %arg4[%dma_wait3A, %dma_wait3A_53, %dma_wait3A_54] : memref<2x200x256xf32, #tpu.memory_space<vmem>> -> memref<1x200x256xf32, #tpu.memory_space<vmem>>
    %dma_wait3A_56 = tpu.memref_squeeze %dma_wait3A_55 : memref<1x200x256xf32, #tpu.memory_space<vmem>> -> memref<200x256xf32, #tpu.memory_space<vmem>>
    %dma_wait3A_57 = arith.constant 0 : i32
    %dma_wait3A_58 = tpu.memref_slice %arg2[%mul3A_6, %dma_wait3A_57] : memref<100000x256xf32, #tpu.memory_space<hbm>> -> memref<200x256xf32, #tpu.memory_space<hbm>>
    tpu.wait_dma2 semaphore(%dma_wait3A_52 : memref<!tpu.dma_semaphore, #tpu.memory_space<semaphore_mem>>) src(%dma_wait3A_58 : memref<200x256xf32, #tpu.memory_space<hbm>>) dst(%dma_wait3A_56 : memref<200x256xf32, #tpu.memory_space<vmem>>)
    %add3A_59 = arith.constant 0 : i32
    %add3A_60 = arith.addi %add3A, %add3A_59 : i32
    %min3A_61 = arith.constant 499 : i32
    %min3A_62 = arith.minsi %add3A_60, %min3A_61 : i32
    %mul3A_63 = arith.constant 200 : i32
    %mul3A_64 = arith.muli %min3A_62, %mul3A_63 : i32
    %dma_start3A_65 = arith.constant 0 : i32
    %dma_start3A_66 = arith.constant 0 : i32
    %dma_start3A_67 = arith.constant 0 : i32
    %dma_start3A_68 = arith.constant 0 : i32
    %dma_start3A_69 = tpu.memref_slice %arg4[%dma_start3A_65, %dma_start3A_67, %dma_start3A_68] : memref<2x200x256xf32, #tpu.memory_space<vmem>> -> memref<1x200x256xf32, #tpu.memory_space<vmem>>
    %dma_start3A_70 = tpu.memref_squeeze %dma_start3A_69 : memref<1x200x256xf32, #tpu.memory_space<vmem>> -> memref<200x256xf32, #tpu.memory_space<vmem>>
    %dma_start3A_71 = arith.constant 0 : i32
    %dma_start3A_72 = tpu.memref_slice %arg3[%mul3A_64, %dma_start3A_71] : memref<100000x256xf32, #tpu.memory_space<hbm>> -> memref<200x256xf32, #tpu.memory_space<hbm>>
    %dma_start3A_73 = tpu.memref_slice %arg6[%dma_start3A_66] : memref<2x!tpu.dma_semaphore, #tpu.memory_space<semaphore_mem>> -> memref<1x!tpu.dma_semaphore, #tpu.memory_space<semaphore_mem>>
    %dma_start3A_74 = tpu.memref_squeeze %dma_start3A_73 : memref<1x!tpu.dma_semaphore, #tpu.memory_space<semaphore_mem>> -> memref<!tpu.dma_semaphore, #tpu.memory_space<semaphore_mem>>
    %dma_start3A_75 = arith.constant 0 : i32
    %dma_start3A_76 = tpu.memref_slice %arg3[%mul3A_64, %dma_start3A_75] : memref<100000x256xf32, #tpu.memory_space<hbm>> -> memref<200x256xf32, #tpu.memory_space<hbm>>
    %dma_start3A_77 = arith.constant 0 : i32
    %dma_start3A_78 = arith.constant 0 : i32
    %dma_start3A_79 = tpu.memref_slice %arg4[%dma_start3A_65, %dma_start3A_77, %dma_start3A_78] : memref<2x200x256xf32, #tpu.memory_space<vmem>> -> memref<1x200x256xf32, #tpu.memory_space<vmem>>
    %dma_start3A_80 = tpu.memref_squeeze %dma_start3A_79 : memref<1x200x256xf32, #tpu.memory_space<vmem>> -> memref<200x256xf32, #tpu.memory_space<vmem>>
    tpu.enqueue_dma source(%dma_start3A_80 : memref<200x256xf32, #tpu.memory_space<vmem>>) target(%dma_start3A_76 : memref<200x256xf32, #tpu.memory_space<hbm>>) target_semaphore(%dma_start3A_74 : memref<!tpu.dma_semaphore, #tpu.memory_space<semaphore_mem>>)
    %dma_wait3A_81 = arith.constant 0 : i32
    %dma_wait3A_82 = arith.constant 0 : i32
    %dma_wait3A_83 = arith.constant 0 : i32
    %dma_wait3A_84 = arith.constant 0 : i32
    %dma_wait3A_85 = tpu.memref_slice %arg4[%dma_wait3A_81, %dma_wait3A_83, %dma_wait3A_84] : memref<2x200x256xf32, #tpu.memory_space<vmem>> -> memref<1x200x256xf32, #tpu.memory_space<vmem>>
    %dma_wait3A_86 = tpu.memref_squeeze %dma_wait3A_85 : memref<1x200x256xf32, #tpu.memory_space<vmem>> -> memref<200x256xf32, #tpu.memory_space<vmem>>
    %dma_wait3A_87 = arith.constant 0 : i32
    %dma_wait3A_88 = tpu.memref_slice %arg3[%mul3A_64, %dma_wait3A_87] : memref<100000x256xf32, #tpu.memory_space<hbm>> -> memref<200x256xf32, #tpu.memory_space<hbm>>
    %dma_wait3A_89 = tpu.memref_slice %arg6[%dma_wait3A_82] : memref<2x!tpu.dma_semaphore, #tpu.memory_space<semaphore_mem>> -> memref<1x!tpu.dma_semaphore, #tpu.memory_space<semaphore_mem>>
    %dma_wait3A_90 = tpu.memref_squeeze %dma_wait3A_89 : memref<1x!tpu.dma_semaphore, #tpu.memory_space<semaphore_mem>> -> memref<!tpu.dma_semaphore, #tpu.memory_space<semaphore_mem>>
    %dma_wait3A_91 = arith.constant 0 : i32
    %dma_wait3A_92 = tpu.memref_slice %arg3[%mul3A_64, %dma_wait3A_91] : memref<100000x256xf32, #tpu.memory_space<hbm>> -> memref<200x256xf32, #tpu.memory_space<hbm>>
    %dma_wait3A_93 = arith.constant 0 : i32
    %dma_wait3A_94 = arith.constant 0 : i32
    %dma_wait3A_95 = tpu.memref_slice %arg4[%dma_wait3A_81, %dma_wait3A_93, %dma_wait3A_94] : memref<2x200x256xf32, #tpu.memory_space<vmem>> -> memref<1x200x256xf32, #tpu.memory_space<vmem>>
    %dma_wait3A_96 = tpu.memref_squeeze %dma_wait3A_95 : memref<1x200x256xf32, #tpu.memory_space<vmem>> -> memref<200x256xf32, #tpu.memory_space<vmem>>
    tpu.wait_dma2 semaphore(%dma_wait3A_90 : memref<!tpu.dma_semaphore, #tpu.memory_space<semaphore_mem>>) src(%dma_wait3A_96 : memref<200x256xf32, #tpu.memory_space<vmem>>) dst(%dma_wait3A_92 : memref<200x256xf32, #tpu.memory_space<hbm>>)
    %add3A_97 = arith.constant 64 : i32
    %add3A_98 = arith.addi %add3A, %add3A_97 : i32
    %min3A_99 = arith.constant 499 : i32
    %min3A_100 = arith.minsi %add3A_98, %min3A_99 : i32
    %mul3A_101 = arith.constant 200 : i32
    %mul3A_102 = arith.muli %min3A_100, %mul3A_101 : i32
    %dma_start3A_103 = arith.constant 0 : i32
    %dma_start3A_104 = arith.constant 0 : i32
    %dma_start3A_105 = arith.constant 0 : i32
    %dma_start3A_106 = arith.constant 0 : i32
    %dma_start3A_107 = tpu.memref_slice %arg4[%dma_start3A_103, %dma_start3A_105, %dma_start3A_106] : memref<2x200x256xf32, #tpu.memory_space<vmem>> -> memref<1x200x256xf32, #tpu.memory_space<vmem>>
    %dma_start3A_108 = tpu.memref_squeeze %dma_start3A_107 : memref<1x200x256xf32, #tpu.memory_space<vmem>> -> memref<200x256xf32, #tpu.memory_space<vmem>>
    %dma_start3A_109 = arith.constant 0 : i32
    %dma_start3A_110 = tpu.memref_slice %arg2[%mul3A_102, %dma_start3A_109] : memref<100000x256xf32, #tpu.memory_space<hbm>> -> memref<200x256xf32, #tpu.memory_space<hbm>>
    %dma_start3A_111 = tpu.memref_slice %arg5[%dma_start3A_104] : memref<2x!tpu.dma_semaphore, #tpu.memory_space<semaphore_mem>> -> memref<1x!tpu.dma_semaphore, #tpu.memory_space<semaphore_mem>>
    %dma_start3A_112 = tpu.memref_squeeze %dma_start3A_111 : memref<1x!tpu.dma_semaphore, #tpu.memory_space<semaphore_mem>> -> memref<!tpu.dma_semaphore, #tpu.memory_space<semaphore_mem>>
    %dma_start3A_113 = arith.constant 0 : i32
    %dma_start3A_114 = arith.constant 0 : i32
    %dma_start3A_115 = tpu.memref_slice %arg4[%dma_start3A_103, %dma_start3A_113, %dma_start3A_114] : memref<2x200x256xf32, #tpu.memory_space<vmem>> -> memref<1x200x256xf32, #tpu.memory_space<vmem>>
    %dma_start3A_116 = tpu.memref_squeeze %dma_start3A_115 : memref<1x200x256xf32, #tpu.memory_space<vmem>> -> memref<200x256xf32, #tpu.memory_space<vmem>>
    %dma_start3A_117 = arith.constant 0 : i32
    %dma_start3A_118 = tpu.memref_slice %arg2[%mul3A_102, %dma_start3A_117] : memref<100000x256xf32, #tpu.memory_space<hbm>> -> memref<200x256xf32, #tpu.memory_space<hbm>>
    tpu.enqueue_dma source(%dma_start3A_118 : memref<200x256xf32, #tpu.memory_space<hbm>>) target(%dma_start3A_116 : memref<200x256xf32, #tpu.memory_space<vmem>>) target_semaphore(%dma_start3A_112 : memref<!tpu.dma_semaphore, #tpu.memory_space<semaphore_mem>>)
    %dma_wait3A_119 = arith.constant 1 : i32
    %dma_wait3A_120 = arith.constant 1 : i32
    %dma_wait3A_121 = arith.constant 0 : i32
    %dma_wait3A_122 = arith.constant 0 : i32
    %dma_wait3A_123 = tpu.memref_slice %arg4[%dma_wait3A_119, %dma_wait3A_121, %dma_wait3A_122] : memref<2x200x256xf32, #tpu.memory_space<vmem>> -> memref<1x200x256xf32, #tpu.memory_space<vmem>>
    %dma_wait3A_124 = tpu.memref_squeeze %dma_wait3A_123 : memref<1x200x256xf32, #tpu.memory_space<vmem>> -> memref<200x256xf32, #tpu.memory_space<vmem>>
    %dma_wait3A_125 = arith.constant 0 : i32
    %dma_wait3A_126 = tpu.memref_slice %arg2[%mul3A_27, %dma_wait3A_125] : memref<100000x256xf32, #tpu.memory_space<hbm>> -> memref<200x256xf32, #tpu.memory_space<hbm>>
    %dma_wait3A_127 = tpu.memref_slice %arg5[%dma_wait3A_120] : memref<2x!tpu.dma_semaphore, #tpu.memory_space<semaphore_mem>> -> memref<1x!tpu.dma_semaphore, #tpu.memory_space<semaphore_mem>>
    %dma_wait3A_128 = tpu.memref_squeeze %dma_wait3A_127 : memref<1x!tpu.dma_semaphore, #tpu.memory_space<semaphore_mem>> -> memref<!tpu.dma_semaphore, #tpu.memory_space<semaphore_mem>>
    %dma_wait3A_129 = arith.constant 0 : i32
    %dma_wait3A_130 = arith.constant 0 : i32
    %dma_wait3A_131 = tpu.memref_slice %arg4[%dma_wait3A_119, %dma_wait3A_129, %dma_wait3A_130] : memref<2x200x256xf32, #tpu.memory_space<vmem>> -> memref<1x200x256xf32, #tpu.memory_space<vmem>>
    %dma_wait3A_132 = tpu.memref_squeeze %dma_wait3A_131 : memref<1x200x256xf32, #tpu.memory_space<vmem>> -> memref<200x256xf32, #tpu.memory_space<vmem>>
    %dma_wait3A_133 = arith.constant 0 : i32
    %dma_wait3A_134 = tpu.memref_slice %arg2[%mul3A_27, %dma_wait3A_133] : memref<100000x256xf32, #tpu.memory_space<hbm>> -> memref<200x256xf32, #tpu.memory_space<hbm>>
    tpu.wait_dma2 semaphore(%dma_wait3A_128 : memref<!tpu.dma_semaphore, #tpu.memory_space<semaphore_mem>>) src(%dma_wait3A_134 : memref<200x256xf32, #tpu.memory_space<hbm>>) dst(%dma_wait3A_132 : memref<200x256xf32, #tpu.memory_space<vmem>>)
    %add3A_135 = arith.constant 32 : i32
    %add3A_136 = arith.addi %add3A, %add3A_135 : i32
    %min3A_137 = arith.constant 499 : i32
    %min3A_138 = arith.minsi %add3A_136, %min3A_137 : i32
    %mul3A_139 = arith.constant 200 : i32
    %mul3A_140 = arith.muli %min3A_138, %mul3A_139 : i32
    %dma_start3A_141 = arith.constant 1 : i32
    %dma_start3A_142 = arith.constant 1 : i32
    %dma_start3A_143 = arith.constant 0 : i32
    %dma_start3A_144 = arith.constant 0 : i32
    %dma_start3A_145 = tpu.memref_slice %arg4[%dma_start3A_141, %dma_start3A_143, %dma_start3A_144] : memref<2x200x256xf32, #tpu.memory_space<vmem>> -> memref<1x200x256xf32, #tpu.memory_space<vmem>>
    %dma_start3A_146 = tpu.memref_squeeze %dma_start3A_145 : memref<1x200x256xf32, #tpu.memory_space<vmem>> -> memref<200x256xf32, #tpu.memory_space<vmem>>
    %dma_start3A_147 = arith.constant 0 : i32
    %dma_start3A_148 = tpu.memref_slice %arg3[%mul3A_140, %dma_start3A_147] : memref<100000x256xf32, #tpu.memory_space<hbm>> -> memref<200x256xf32, #tpu.memory_space<hbm>>
    %dma_start3A_149 = tpu.memref_slice %arg6[%dma_start3A_142] : memref<2x!tpu.dma_semaphore, #tpu.memory_space<semaphore_mem>> -> memref<1x!tpu.dma_semaphore, #tpu.memory_space<semaphore_mem>>
    %dma_start3A_150 = tpu.memref_squeeze %dma_start3A_149 : memref<1x!tpu.dma_semaphore, #tpu.memory_space<semaphore_mem>> -> memref<!tpu.dma_semaphore, #tpu.memory_space<semaphore_mem>>
    %dma_start3A_151 = arith.constant 0 : i32
    %dma_start3A_152 = tpu.memref_slice %arg3[%mul3A_140, %dma_start3A_151] : memref<100000x256xf32, #tpu.memory_space<hbm>> -> memref<200x256xf32, #tpu.memory_space<hbm>>
    %dma_start3A_153 = arith.constant 0 : i32
    %dma_start3A_154 = arith.constant 0 : i32
    %dma_start3A_155 = tpu.memref_slice %arg4[%dma_start3A_141, %dma_start3A_153, %dma_start3A_154] : memref<2x200x256xf32, #tpu.memory_space<vmem>> -> memref<1x200x256xf32, #tpu.memory_space<vmem>>
    %dma_start3A_156 = tpu.memref_squeeze %dma_start3A_155 : memref<1x200x256xf32, #tpu.memory_space<vmem>> -> memref<200x256xf32, #tpu.memory_space<vmem>>
    tpu.enqueue_dma source(%dma_start3A_156 : memref<200x256xf32, #tpu.memory_space<vmem>>) target(%dma_start3A_152 : memref<200x256xf32, #tpu.memory_space<hbm>>) target_semaphore(%dma_start3A_150 : memref<!tpu.dma_semaphore, #tpu.memory_space<semaphore_mem>>)
    %dma_wait3A_157 = arith.constant 1 : i32
    %dma_wait3A_158 = arith.constant 1 : i32
    %dma_wait3A_159 = arith.constant 0 : i32
    %dma_wait3A_160 = arith.constant 0 : i32
    %dma_wait3A_161 = tpu.memref_slice %arg4[%dma_wait3A_157, %dma_wait3A_159, %dma_wait3A_160] : memref<2x200x256xf32, #tpu.memory_space<vmem>> -> memref<1x200x256xf32, #tpu.memory_space<vmem>>
    %dma_wait3A_162 = tpu.memref_squeeze %dma_wait3A_161 : memref<1x200x256xf32, #tpu.memory_space<vmem>> -> memref<200x256xf32, #tpu.memory_space<vmem>>
    %dma_wait3A_163 = arith.constant 0 : i32
    %dma_wait3A_164 = tpu.memref_slice %arg3[%mul3A_140, %dma_wait3A_163] : memref<100000x256xf32, #tpu.memory_space<hbm>> -> memref<200x256xf32, #tpu.memory_space<hbm>>
    %dma_wait3A_165 = tpu.memref_slice %arg6[%dma_wait3A_158] : memref<2x!tpu.dma_semaphore, #tpu.memory_space<semaphore_mem>> -> memref<1x!tpu.dma_semaphore, #tpu.memory_space<semaphore_mem>>
    %dma_wait3A_166 = tpu.memref_squeeze %dma_wait3A_165 : memref<1x!tpu.dma_semaphore, #tpu.memory_space<semaphore_mem>> -> memref<!tpu.dma_semaphore, #tpu.memory_space<semaphore_mem>>
    %dma_wait3A_167 = arith.constant 0 : i32
    %dma_wait3A_168 = tpu.memref_slice %arg3[%mul3A_140, %dma_wait3A_167] : memref<100000x256xf32, #tpu.memory_space<hbm>> -> memref<200x256xf32, #tpu.memory_space<hbm>>
    %dma_wait3A_169 = arith.constant 0 : i32
    %dma_wait3A_170 = arith.constant 0 : i32
    %dma_wait3A_171 = tpu.memref_slice %arg4[%dma_wait3A_157, %dma_wait3A_169, %dma_wait3A_170] : memref<2x200x256xf32, #tpu.memory_space<vmem>> -> memref<1x200x256xf32, #tpu.memory_space<vmem>>
    %dma_wait3A_172 = tpu.memref_squeeze %dma_wait3A_171 : memref<1x200x256xf32, #tpu.memory_space<vmem>> -> memref<200x256xf32, #tpu.memory_space<vmem>>
    tpu.wait_dma2 semaphore(%dma_wait3A_166 : memref<!tpu.dma_semaphore, #tpu.memory_space<semaphore_mem>>) src(%dma_wait3A_172 : memref<200x256xf32, #tpu.memory_space<vmem>>) dst(%dma_wait3A_168 : memref<200x256xf32, #tpu.memory_space<hbm>>)
    %add3A_173 = arith.constant 96 : i32
    %add3A_174 = arith.addi %add3A, %add3A_173 : i32
    %min3A_175 = arith.constant 499 : i32
    %min3A_176 = arith.minsi %add3A_174, %min3A_175 : i32
    %mul3A_177 = arith.constant 200 : i32
    %mul3A_178 = arith.muli %min3A_176, %mul3A_177 : i32
    %dma_start3A_179 = arith.constant 1 : i32
    %dma_start3A_180 = arith.constant 1 : i32
    %dma_start3A_181 = arith.constant 0 : i32
    %dma_start3A_182 = arith.constant 0 : i32
    %dma_start3A_183 = tpu.memref_slice %arg4[%dma_start3A_179, %dma_start3A_181, %dma_start3A_182] : memref<2x200x256xf32, #tpu.memory_space<vmem>> -> memref<1x200x256xf32, #tpu.memory_space<vmem>>
    %dma_start3A_184 = tpu.memref_squeeze %dma_start3A_183 : memref<1x200x256xf32, #tpu.memory_space<vmem>> -> memref<200x256xf32, #tpu.memory_space<vmem>>
    %dma_start3A_185 = arith.constant 0 : i32
    %dma_start3A_186 = tpu.memref_slice %arg2[%mul3A_178, %dma_start3A_185] : memref<100000x256xf32, #tpu.memory_space<hbm>> -> memref<200x256xf32, #tpu.memory_space<hbm>>
    %dma_start3A_187 = tpu.memref_slice %arg5[%dma_start3A_180] : memref<2x!tpu.dma_semaphore, #tpu.memory_space<semaphore_mem>> -> memref<1x!tpu.dma_semaphore, #tpu.memory_space<semaphore_mem>>
    %dma_start3A_188 = tpu.memref_squeeze %dma_start3A_187 : memref<1x!tpu.dma_semaphore, #tpu.memory_space<semaphore_mem>> -> memref<!tpu.dma_semaphore, #tpu.memory_space<semaphore_mem>>
    %dma_start3A_189 = arith.constant 0 : i32
    %dma_start3A_190 = arith.constant 0 : i32
    %dma_start3A_191 = tpu.memref_slice %arg4[%dma_start3A_179, %dma_start3A_189, %dma_start3A_190] : memref<2x200x256xf32, #tpu.memory_space<vmem>> -> memref<1x200x256xf32, #tpu.memory_space<vmem>>
    %dma_start3A_192 = tpu.memref_squeeze %dma_start3A_191 : memref<1x200x256xf32, #tpu.memory_space<vmem>> -> memref<200x256xf32, #tpu.memory_space<vmem>>
    %dma_start3A_193 = arith.constant 0 : i32
    %dma_start3A_194 = tpu.memref_slice %arg2[%mul3A_178, %dma_start3A_193] : memref<100000x256xf32, #tpu.memory_space<hbm>> -> memref<200x256xf32, #tpu.memory_space<hbm>>
    tpu.enqueue_dma source(%dma_start3A_194 : memref<200x256xf32, #tpu.memory_space<hbm>>) target(%dma_start3A_192 : memref<200x256xf32, #tpu.memory_space<vmem>>) target_semaphore(%dma_start3A_188 : memref<!tpu.dma_semaphore, #tpu.memory_space<semaphore_mem>>)
    %dma_wait3A_195 = arith.constant 0 : i32
    %dma_wait3A_196 = arith.constant 0 : i32
    %dma_wait3A_197 = arith.constant 0 : i32
    %dma_wait3A_198 = arith.constant 0 : i32
    %dma_wait3A_199 = tpu.memref_slice %arg4[%dma_wait3A_195, %dma_wait3A_197, %dma_wait3A_198] : memref<2x200x256xf32, #tpu.memory_space<vmem>> -> memref<1x200x256xf32, #tpu.memory_space<vmem>>
    %dma_wait3A_200 = tpu.memref_squeeze %dma_wait3A_199 : memref<1x200x256xf32, #tpu.memory_space<vmem>> -> memref<200x256xf32, #tpu.memory_space<vmem>>
    %dma_wait3A_201 = arith.constant 0 : i32
    %dma_wait3A_202 = tpu.memref_slice %arg2[%mul3A_102, %dma_wait3A_201] : memref<100000x256xf32, #tpu.memory_space<hbm>> -> memref<200x256xf32, #tpu.memory_space<hbm>>
    %dma_wait3A_203 = tpu.memref_slice %arg5[%dma_wait3A_196] : memref<2x!tpu.dma_semaphore, #tpu.memory_space<semaphore_mem>> -> memref<1x!tpu.dma_semaphore, #tpu.memory_space<semaphore_mem>>
    %dma_wait3A_204 = tpu.memref_squeeze %dma_wait3A_203 : memref<1x!tpu.dma_semaphore, #tpu.memory_space<semaphore_mem>> -> memref<!tpu.dma_semaphore, #tpu.memory_space<semaphore_mem>>
    %dma_wait3A_205 = arith.constant 0 : i32
    %dma_wait3A_206 = arith.constant 0 : i32
    %dma_wait3A_207 = tpu.memref_slice %arg4[%dma_wait3A_195, %dma_wait3A_205, %dma_wait3A_206] : memref<2x200x256xf32, #tpu.memory_space<vmem>> -> memref<1x200x256xf32, #tpu.memory_space<vmem>>
    %dma_wait3A_208 = tpu.memref_squeeze %dma_wait3A_207 : memref<1x200x256xf32, #tpu.memory_space<vmem>> -> memref<200x256xf32, #tpu.memory_space<vmem>>
    %dma_wait3A_209 = arith.constant 0 : i32
    %dma_wait3A_210 = tpu.memref_slice %arg2[%mul3A_102, %dma_wait3A_209] : memref<100000x256xf32, #tpu.memory_space<hbm>> -> memref<200x256xf32, #tpu.memory_space<hbm>>
    tpu.wait_dma2 semaphore(%dma_wait3A_204 : memref<!tpu.dma_semaphore, #tpu.memory_space<semaphore_mem>>) src(%dma_wait3A_210 : memref<200x256xf32, #tpu.memory_space<hbm>>) dst(%dma_wait3A_208 : memref<200x256xf32, #tpu.memory_space<vmem>>)
    %add3A_211 = arith.constant 64 : i32
    %add3A_212 = arith.addi %add3A, %add3A_211 : i32
    %min3A_213 = arith.constant 499 : i32
    %min3A_214 = arith.minsi %add3A_212, %min3A_213 : i32
    %mul3A_215 = arith.constant 200 : i32
    %mul3A_216 = arith.muli %min3A_214, %mul3A_215 : i32
    %dma_start3A_217 = arith.constant 0 : i32
    %dma_start3A_218 = arith.constant 0 : i32
    %dma_start3A_219 = arith.constant 0 : i32
    %dma_start3A_220 = arith.constant 0 : i32
    %dma_start3A_221 = tpu.memref_slice %arg4[%dma_start3A_217, %dma_start3A_219, %dma_start3A_220] : memref<2x200x256xf32, #tpu.memory_space<vmem>> -> memref<1x200x256xf32, #tpu.memory_space<vmem>>
    %dma_start3A_222 = tpu.memref_squeeze %dma_start3A_221 : memref<1x200x256xf32, #tpu.memory_space<vmem>> -> memref<200x256xf32, #tpu.memory_space<vmem>>
    %dma_start3A_223 = arith.constant 0 : i32
    %dma_start3A_224 = tpu.memref_slice %arg3[%mul3A_216, %dma_start3A_223] : memref<100000x256xf32, #tpu.memory_space<hbm>> -> memref<200x256xf32, #tpu.memory_space<hbm>>
    %dma_start3A_225 = tpu.memref_slice %arg6[%dma_start3A_218] : memref<2x!tpu.dma_semaphore, #tpu.memory_space<semaphore_mem>> -> memref<1x!tpu.dma_semaphore, #tpu.memory_space<semaphore_mem>>
    %dma_start3A_226 = tpu.memref_squeeze %dma_start3A_225 : memref<1x!tpu.dma_semaphore, #tpu.memory_space<semaphore_mem>> -> memref<!tpu.dma_semaphore, #tpu.memory_space<semaphore_mem>>
    %dma_start3A_227 = arith.constant 0 : i32
    %dma_start3A_228 = tpu.memref_slice %arg3[%mul3A_216, %dma_start3A_227] : memref<100000x256xf32, #tpu.memory_space<hbm>> -> memref<200x256xf32, #tpu.memory_space<hbm>>
    %dma_start3A_229 = arith.constant 0 : i32
    %dma_start3A_230 = arith.constant 0 : i32
    %dma_start3A_231 = tpu.memref_slice %arg4[%dma_start3A_217, %dma_start3A_229, %dma_start3A_230] : memref<2x200x256xf32, #tpu.memory_space<vmem>> -> memref<1x200x256xf32, #tpu.memory_space<vmem>>
    %dma_start3A_232 = tpu.memref_squeeze %dma_start3A_231 : memref<1x200x256xf32, #tpu.memory_space<vmem>> -> memref<200x256xf32, #tpu.memory_space<vmem>>
    tpu.enqueue_dma source(%dma_start3A_232 : memref<200x256xf32, #tpu.memory_space<vmem>>) target(%dma_start3A_228 : memref<200x256xf32, #tpu.memory_space<hbm>>) target_semaphore(%dma_start3A_226 : memref<!tpu.dma_semaphore, #tpu.memory_space<semaphore_mem>>)
    %dma_wait3A_233 = arith.constant 0 : i32
    %dma_wait3A_234 = arith.constant 0 : i32
    %dma_wait3A_235 = arith.constant 0 : i32
    %dma_wait3A_236 = arith.constant 0 : i32
    %dma_wait3A_237 = tpu.memref_slice %arg4[%dma_wait3A_233, %dma_wait3A_235, %dma_wait3A_236] : memref<2x200x256xf32, #tpu.memory_space<vmem>> -> memref<1x200x256xf32, #tpu.memory_space<vmem>>
    %dma_wait3A_238 = tpu.memref_squeeze %dma_wait3A_237 : memref<1x200x256xf32, #tpu.memory_space<vmem>> -> memref<200x256xf32, #tpu.memory_space<vmem>>
    %dma_wait3A_239 = arith.constant 0 : i32
    %dma_wait3A_240 = tpu.memref_slice %arg3[%mul3A_216, %dma_wait3A_239] : memref<100000x256xf32, #tpu.memory_space<hbm>> -> memref<200x256xf32, #tpu.memory_space<hbm>>
    %dma_wait3A_241 = tpu.memref_slice %arg6[%dma_wait3A_234] : memref<2x!tpu.dma_semaphore, #tpu.memory_space<semaphore_mem>> -> memref<1x!tpu.dma_semaphore, #tpu.memory_space<semaphore_mem>>
    %dma_wait3A_242 = tpu.memref_squeeze %dma_wait3A_241 : memref<1x!tpu.dma_semaphore, #tpu.memory_space<semaphore_mem>> -> memref<!tpu.dma_semaphore, #tpu.memory_space<semaphore_mem>>
    %dma_wait3A_243 = arith.constant 0 : i32
    %dma_wait3A_244 = tpu.memref_slice %arg3[%mul3A_216, %dma_wait3A_243] : memref<100000x256xf32, #tpu.memory_space<hbm>> -> memref<200x256xf32, #tpu.memory_space<hbm>>
    %dma_wait3A_245 = arith.constant 0 : i32
    %dma_wait3A_246 = arith.constant 0 : i32
    %dma_wait3A_247 = tpu.memref_slice %arg4[%dma_wait3A_233, %dma_wait3A_245, %dma_wait3A_246] : memref<2x200x256xf32, #tpu.memory_space<vmem>> -> memref<1x200x256xf32, #tpu.memory_space<vmem>>
    %dma_wait3A_248 = tpu.memref_squeeze %dma_wait3A_247 : memref<1x200x256xf32, #tpu.memory_space<vmem>> -> memref<200x256xf32, #tpu.memory_space<vmem>>
    tpu.wait_dma2 semaphore(%dma_wait3A_242 : memref<!tpu.dma_semaphore, #tpu.memory_space<semaphore_mem>>) src(%dma_wait3A_248 : memref<200x256xf32, #tpu.memory_space<vmem>>) dst(%dma_wait3A_244 : memref<200x256xf32, #tpu.memory_space<hbm>>)
    %add3A_249 = arith.constant 128 : i32
    %add3A_250 = arith.addi %add3A, %add3A_249 : i32
    %min3A_251 = arith.constant 499 : i32
    %min3A_252 = arith.minsi %add3A_250, %min3A_251 : i32
    %mul3A_253 = arith.constant 200 : i32
    %mul3A_254 = arith.muli %min3A_252, %mul3A_253 : i32
    %dma_start3A_255 = arith.constant 0 : i32
    %dma_start3A_256 = arith.constant 0 : i32
    %dma_start3A_257 = arith.constant 0 : i32
    %dma_start3A_258 = arith.constant 0 : i32
    %dma_start3A_259 = tpu.memref_slice %arg4[%dma_start3A_255, %dma_start3A_257, %dma_start3A_258] : memref<2x200x256xf32, #tpu.memory_space<vmem>> -> memref<1x200x256xf32, #tpu.memory_space<vmem>>
    %dma_start3A_260 = tpu.memref_squeeze %dma_start3A_259 : memref<1x200x256xf32, #tpu.memory_space<vmem>> -> memref<200x256xf32, #tpu.memory_space<vmem>>
    %dma_start3A_261 = arith.constant 0 : i32
    %dma_start3A_262 = tpu.memref_slice %arg2[%mul3A_254, %dma_start3A_261] : memref<100000x256xf32, #tpu.memory_space<hbm>> -> memref<200x256xf32, #tpu.memory_space<hbm>>
    %dma_start3A_263 = tpu.memref_slice %arg5[%dma_start3A_256] : memref<2x!tpu.dma_semaphore, #tpu.memory_space<semaphore_mem>> -> memref<1x!tpu.dma_semaphore, #tpu.memory_space<semaphore_mem>>
    %dma_start3A_264 = tpu.memref_squeeze %dma_start3A_263 : memref<1x!tpu.dma_semaphore, #tpu.memory_space<semaphore_mem>> -> memref<!tpu.dma_semaphore, #tpu.memory_space<semaphore_mem>>
    %dma_start3A_265 = arith.constant 0 : i32
    %dma_start3A_266 = arith.constant 0 : i32
    %dma_start3A_267 = tpu.memref_slice %arg4[%dma_start3A_255, %dma_start3A_265, %dma_start3A_266] : memref<2x200x256xf32, #tpu.memory_space<vmem>> -> memref<1x200x256xf32, #tpu.memory_space<vmem>>
    %dma_start3A_268 = tpu.memref_squeeze %dma_start3A_267 : memref<1x200x256xf32, #tpu.memory_space<vmem>> -> memref<200x256xf32, #tpu.memory_space<vmem>>
    %dma_start3A_269 = arith.constant 0 : i32
    %dma_start3A_270 = tpu.memref_slice %arg2[%mul3A_254, %dma_start3A_269] : memref<100000x256xf32, #tpu.memory_space<hbm>> -> memref<200x256xf32, #tpu.memory_space<hbm>>
    tpu.enqueue_dma source(%dma_start3A_270 : memref<200x256xf32, #tpu.memory_space<hbm>>) target(%dma_start3A_268 : memref<200x256xf32, #tpu.memory_space<vmem>>) target_semaphore(%dma_start3A_264 : memref<!tpu.dma_semaphore, #tpu.memory_space<semaphore_mem>>)
    %dma_wait3A_271 = arith.constant 1 : i32
    %dma_wait3A_272 = arith.constant 1 : i32
    %dma_wait3A_273 = arith.constant 0 : i32
    %dma_wait3A_274 = arith.constant 0 : i32
    %dma_wait3A_275 = tpu.memref_slice %arg4[%dma_wait3A_271, %dma_wait3A_273, %dma_wait3A_274] : memref<2x200x256xf32, #tpu.memory_space<vmem>> -> memref<1x200x256xf32, #tpu.memory_space<vmem>>
    %dma_wait3A_276 = tpu.memref_squeeze %dma_wait3A_275 : memref<1x200x256xf32, #tpu.memory_space<vmem>> -> memref<200x256xf32, #tpu.memory_space<vmem>>
    %dma_wait3A_277 = arith.constant 0 : i32
    %dma_wait3A_278 = tpu.memref_slice %arg2[%mul3A_178, %dma_wait3A_277] : memref<100000x256xf32, #tpu.memory_space<hbm>> -> memref<200x256xf32, #tpu.memory_space<hbm>>
    %dma_wait3A_279 = tpu.memref_slice %arg5[%dma_wait3A_272] : memref<2x!tpu.dma_semaphore, #tpu.memory_space<semaphore_mem>> -> memref<1x!tpu.dma_semaphore, #tpu.memory_space<semaphore_mem>>
    %dma_wait3A_280 = tpu.memref_squeeze %dma_wait3A_279 : memref<1x!tpu.dma_semaphore, #tpu.memory_space<semaphore_mem>> -> memref<!tpu.dma_semaphore, #tpu.memory_space<semaphore_mem>>
    %dma_wait3A_281 = arith.constant 0 : i32
    %dma_wait3A_282 = arith.constant 0 : i32
    %dma_wait3A_283 = tpu.memref_slice %arg4[%dma_wait3A_271, %dma_wait3A_281, %dma_wait3A_282] : memref<2x200x256xf32, #tpu.memory_space<vmem>> -> memref<1x200x256xf32, #tpu.memory_space<vmem>>
    %dma_wait3A_284 = tpu.memref_squeeze %dma_wait3A_283 : memref<1x200x256xf32, #tpu.memory_space<vmem>> -> memref<200x256xf32, #tpu.memory_space<vmem>>
    %dma_wait3A_285 = arith.constant 0 : i32
    %dma_wait3A_286 = tpu.memref_slice %arg2[%mul3A_178, %dma_wait3A_285] : memref<100000x256xf32, #tpu.memory_space<hbm>> -> memref<200x256xf32, #tpu.memory_space<hbm>>
    tpu.wait_dma2 semaphore(%dma_wait3A_280 : memref<!tpu.dma_semaphore, #tpu.memory_space<semaphore_mem>>) src(%dma_wait3A_286 : memref<200x256xf32, #tpu.memory_space<hbm>>) dst(%dma_wait3A_284 : memref<200x256xf32, #tpu.memory_space<vmem>>)
    %add3A_287 = arith.constant 96 : i32
    %add3A_288 = arith.addi %add3A, %add3A_287 : i32
    %min3A_289 = arith.constant 499 : i32
    %min3A_290 = arith.minsi %add3A_288, %min3A_289 : i32
    %mul3A_291 = arith.constant 200 : i32
    %mul3A_292 = arith.muli %min3A_290, %mul3A_291 : i32
    %dma_start3A_293 = arith.constant 1 : i32
    %dma_start3A_294 = arith.constant 1 : i32
    %dma_start3A_295 = arith.constant 0 : i32
    %dma_start3A_296 = arith.constant 0 : i32
    %dma_start3A_297 = tpu.memref_slice %arg4[%dma_start3A_293, %dma_start3A_295, %dma_start3A_296] : memref<2x200x256xf32, #tpu.memory_space<vmem>> -> memref<1x200x256xf32, #tpu.memory_space<vmem>>
    %dma_start3A_298 = tpu.memref_squeeze %dma_start3A_297 : memref<1x200x256xf32, #tpu.memory_space<vmem>> -> memref<200x256xf32, #tpu.memory_space<vmem>>
    %dma_start3A_299 = arith.constant 0 : i32
    %dma_start3A_300 = tpu.memref_slice %arg3[%mul3A_292, %dma_start3A_299] : memref<100000x256xf32, #tpu.memory_space<hbm>> -> memref<200x256xf32, #tpu.memory_space<hbm>>
    %dma_start3A_301 = tpu.memref_slice %arg6[%dma_start3A_294] : memref<2x!tpu.dma_semaphore, #tpu.memory_space<semaphore_mem>> -> memref<1x!tpu.dma_semaphore, #tpu.memory_space<semaphore_mem>>
    %dma_start3A_302 = tpu.memref_squeeze %dma_start3A_301 : memref<1x!tpu.dma_semaphore, #tpu.memory_space<semaphore_mem>> -> memref<!tpu.dma_semaphore, #tpu.memory_space<semaphore_mem>>
    %dma_start3A_303 = arith.constant 0 : i32
    %dma_start3A_304 = tpu.memref_slice %arg3[%mul3A_292, %dma_start3A_303] : memref<100000x256xf32, #tpu.memory_space<hbm>> -> memref<200x256xf32, #tpu.memory_space<hbm>>
    %dma_start3A_305 = arith.constant 0 : i32
    %dma_start3A_306 = arith.constant 0 : i32
    %dma_start3A_307 = tpu.memref_slice %arg4[%dma_start3A_293, %dma_start3A_305, %dma_start3A_306] : memref<2x200x256xf32, #tpu.memory_space<vmem>> -> memref<1x200x256xf32, #tpu.memory_space<vmem>>
    %dma_start3A_308 = tpu.memref_squeeze %dma_start3A_307 : memref<1x200x256xf32, #tpu.memory_space<vmem>> -> memref<200x256xf32, #tpu.memory_space<vmem>>
    tpu.enqueue_dma source(%dma_start3A_308 : memref<200x256xf32, #tpu.memory_space<vmem>>) target(%dma_start3A_304 : memref<200x256xf32, #tpu.memory_space<hbm>>) target_semaphore(%dma_start3A_302 : memref<!tpu.dma_semaphore, #tpu.memory_space<semaphore_mem>>)
    %dma_wait3A_309 = arith.constant 1 : i32
    %dma_wait3A_310 = arith.constant 1 : i32
    %dma_wait3A_311 = arith.constant 0 : i32
    %dma_wait3A_312 = arith.constant 0 : i32
    %dma_wait3A_313 = tpu.memref_slice %arg4[%dma_wait3A_309, %dma_wait3A_311, %dma_wait3A_312] : memref<2x200x256xf32, #tpu.memory_space<vmem>> -> memref<1x200x256xf32, #tpu.memory_space<vmem>>
    %dma_wait3A_314 = tpu.memref_squeeze %dma_wait3A_313 : memref<1x200x256xf32, #tpu.memory_space<vmem>> -> memref<200x256xf32, #tpu.memory_space<vmem>>
    %dma_wait3A_315 = arith.constant 0 : i32
    %dma_wait3A_316 = tpu.memref_slice %arg3[%mul3A_292, %dma_wait3A_315] : memref<100000x256xf32, #tpu.memory_space<hbm>> -> memref<200x256xf32, #tpu.memory_space<hbm>>
    %dma_wait3A_317 = tpu.memref_slice %arg6[%dma_wait3A_310] : memref<2x!tpu.dma_semaphore, #tpu.memory_space<semaphore_mem>> -> memref<1x!tpu.dma_semaphore, #tpu.memory_space<semaphore_mem>>
    %dma_wait3A_318 = tpu.memref_squeeze %dma_wait3A_317 : memref<1x!tpu.dma_semaphore, #tpu.memory_space<semaphore_mem>> -> memref<!tpu.dma_semaphore, #tpu.memory_space<semaphore_mem>>
    %dma_wait3A_319 = arith.constant 0 : i32
    %dma_wait3A_320 = tpu.memref_slice %arg3[%mul3A_292, %dma_wait3A_319] : memref<100000x256xf32, #tpu.memory_space<hbm>> -> memref<200x256xf32, #tpu.memory_space<hbm>>
    %dma_wait3A_321 = arith.constant 0 : i32
    %dma_wait3A_322 = arith.constant 0 : i32
    %dma_wait3A_323 = tpu.memref_slice %arg4[%dma_wait3A_309, %dma_wait3A_321, %dma_wait3A_322] : memref<2x200x256xf32, #tpu.memory_space<vmem>> -> memref<1x200x256xf32, #tpu.memory_space<vmem>>
    %dma_wait3A_324 = tpu.memref_squeeze %dma_wait3A_323 : memref<1x200x256xf32, #tpu.memory_space<vmem>> -> memref<200x256xf32, #tpu.memory_space<vmem>>
    tpu.wait_dma2 semaphore(%dma_wait3A_318 : memref<!tpu.dma_semaphore, #tpu.memory_space<semaphore_mem>>) src(%dma_wait3A_324 : memref<200x256xf32, #tpu.memory_space<vmem>>) dst(%dma_wait3A_320 : memref<200x256xf32, #tpu.memory_space<hbm>>)
    %add3A_325 = arith.constant 160 : i32
    %add3A_326 = arith.addi %add3A, %add3A_325 : i32
    %min3A_327 = arith.constant 499 : i32
    %min3A_328 = arith.minsi %add3A_326, %min3A_327 : i32
    %mul3A_329 = arith.constant 200 : i32
    %mul3A_330 = arith.muli %min3A_328, %mul3A_329 : i32
    %dma_start3A_331 = arith.constant 1 : i32
    %dma_start3A_332 = arith.constant 1 : i32
    %dma_start3A_333 = arith.constant 0 : i32
    %dma_start3A_334 = arith.constant 0 : i32
    %dma_start3A_335 = tpu.memref_slice %arg4[%dma_start3A_331, %dma_start3A_333, %dma_start3A_334] : memref<2x200x256xf32, #tpu.memory_space<vmem>> -> memref<1x200x256xf32, #tpu.memory_space<vmem>>
    %dma_start3A_336 = tpu.memref_squeeze %dma_start3A_335 : memref<1x200x256xf32, #tpu.memory_space<vmem>> -> memref<200x256xf32, #tpu.memory_space<vmem>>
    %dma_start3A_337 = arith.constant 0 : i32
    %dma_start3A_338 = tpu.memref_slice %arg2[%mul3A_330, %dma_start3A_337] : memref<100000x256xf32, #tpu.memory_space<hbm>> -> memref<200x256xf32, #tpu.memory_space<hbm>>
    %dma_start3A_339 = tpu.memref_slice %arg5[%dma_start3A_332] : memref<2x!tpu.dma_semaphore, #tpu.memory_space<semaphore_mem>> -> memref<1x!tpu.dma_semaphore, #tpu.memory_space<semaphore_mem>>
    %dma_start3A_340 = tpu.memref_squeeze %dma_start3A_339 : memref<1x!tpu.dma_semaphore, #tpu.memory_space<semaphore_mem>> -> memref<!tpu.dma_semaphore, #tpu.memory_space<semaphore_mem>>
    %dma_start3A_341 = arith.constant 0 : i32
    %dma_start3A_342 = arith.constant 0 : i32
    %dma_start3A_343 = tpu.memref_slice %arg4[%dma_start3A_331, %dma_start3A_341, %dma_start3A_342] : memref<2x200x256xf32, #tpu.memory_space<vmem>> -> memref<1x200x256xf32, #tpu.memory_space<vmem>>
    %dma_start3A_344 = tpu.memref_squeeze %dma_start3A_343 : memref<1x200x256xf32, #tpu.memory_space<vmem>> -> memref<200x256xf32, #tpu.memory_space<vmem>>
    %dma_start3A_345 = arith.constant 0 : i32
    %dma_start3A_346 = tpu.memref_slice %arg2[%mul3A_330, %dma_start3A_345] : memref<100000x256xf32, #tpu.memory_space<hbm>> -> memref<200x256xf32, #tpu.memory_space<hbm>>
    tpu.enqueue_dma source(%dma_start3A_346 : memref<200x256xf32, #tpu.memory_space<hbm>>) target(%dma_start3A_344 : memref<200x256xf32, #tpu.memory_space<vmem>>) target_semaphore(%dma_start3A_340 : memref<!tpu.dma_semaphore, #tpu.memory_space<semaphore_mem>>)
    %dma_wait3A_347 = arith.constant 0 : i32
    %dma_wait3A_348 = arith.constant 0 : i32
    %dma_wait3A_349 = arith.constant 0 : i32
    %dma_wait3A_350 = arith.constant 0 : i32
    %dma_wait3A_351 = tpu.memref_slice %arg4[%dma_wait3A_347, %dma_wait3A_349, %dma_wait3A_350] : memref<2x200x256xf32, #tpu.memory_space<vmem>> -> memref<1x200x256xf32, #tpu.memory_space<vmem>>
    %dma_wait3A_352 = tpu.memref_squeeze %dma_wait3A_351 : memref<1x200x256xf32, #tpu.memory_space<vmem>> -> memref<200x256xf32, #tpu.memory_space<vmem>>
    %dma_wait3A_353 = arith.constant 0 : i32
    %dma_wait3A_354 = tpu.memref_slice %arg2[%mul3A_254, %dma_wait3A_353] : memref<100000x256xf32, #tpu.memory_space<hbm>> -> memref<200x256xf32, #tpu.memory_space<hbm>>
    %dma_wait3A_355 = tpu.memref_slice %arg5[%dma_wait3A_348] : memref<2x!tpu.dma_semaphore, #tpu.memory_space<semaphore_mem>> -> memref<1x!tpu.dma_semaphore, #tpu.memory_space<semaphore_mem>>
    %dma_wait3A_356 = tpu.memref_squeeze %dma_wait3A_355 : memref<1x!tpu.dma_semaphore, #tpu.memory_space<semaphore_mem>> -> memref<!tpu.dma_semaphore, #tpu.memory_space<semaphore_mem>>
    %dma_wait3A_357 = arith.constant 0 : i32
    %dma_wait3A_358 = arith.constant 0 : i32
    %dma_wait3A_359 = tpu.memref_slice %arg4[%dma_wait3A_347, %dma_wait3A_357, %dma_wait3A_358] : memref<2x200x256xf32, #tpu.memory_space<vmem>> -> memref<1x200x256xf32, #tpu.memory_space<vmem>>
    %dma_wait3A_360 = tpu.memref_squeeze %dma_wait3A_359 : memref<1x200x256xf32, #tpu.memory_space<vmem>> -> memref<200x256xf32, #tpu.memory_space<vmem>>
    %dma_wait3A_361 = arith.constant 0 : i32
    %dma_wait3A_362 = tpu.memref_slice %arg2[%mul3A_254, %dma_wait3A_361] : memref<100000x256xf32, #tpu.memory_space<hbm>> -> memref<200x256xf32, #tpu.memory_space<hbm>>
    tpu.wait_dma2 semaphore(%dma_wait3A_356 : memref<!tpu.dma_semaphore, #tpu.memory_space<semaphore_mem>>) src(%dma_wait3A_362 : memref<200x256xf32, #tpu.memory_space<hbm>>) dst(%dma_wait3A_360 : memref<200x256xf32, #tpu.memory_space<vmem>>)
    %add3A_363 = arith.constant 128 : i32
    %add3A_364 = arith.addi %add3A, %add3A_363 : i32
    %min3A_365 = arith.constant 499 : i32
    %min3A_366 = arith.minsi %add3A_364, %min3A_365 : i32
    %mul3A_367 = arith.constant 200 : i32
    %mul3A_368 = arith.muli %min3A_366, %mul3A_367 : i32
    %dma_start3A_369 = arith.constant 0 : i32
    %dma_start3A_370 = arith.constant 0 : i32
    %dma_start3A_371 = arith.constant 0 : i32
    %dma_start3A_372 = arith.constant 0 : i32
    %dma_start3A_373 = tpu.memref_slice %arg4[%dma_start3A_369, %dma_start3A_371, %dma_start3A_372] : memref<2x200x256xf32, #tpu.memory_space<vmem>> -> memref<1x200x256xf32, #tpu.memory_space<vmem>>
    %dma_start3A_374 = tpu.memref_squeeze %dma_start3A_373 : memref<1x200x256xf32, #tpu.memory_space<vmem>> -> memref<200x256xf32, #tpu.memory_space<vmem>>
    %dma_start3A_375 = arith.constant 0 : i32
    %dma_start3A_376 = tpu.memref_slice %arg3[%mul3A_368, %dma_start3A_375] : memref<100000x256xf32, #tpu.memory_space<hbm>> -> memref<200x256xf32, #tpu.memory_space<hbm>>
    %dma_start3A_377 = tpu.memref_slice %arg6[%dma_start3A_370] : memref<2x!tpu.dma_semaphore, #tpu.memory_space<semaphore_mem>> -> memref<1x!tpu.dma_semaphore, #tpu.memory_space<semaphore_mem>>
    %dma_start3A_378 = tpu.memref_squeeze %dma_start3A_377 : memref<1x!tpu.dma_semaphore, #tpu.memory_space<semaphore_mem>> -> memref<!tpu.dma_semaphore, #tpu.memory_space<semaphore_mem>>
    %dma_start3A_379 = arith.constant 0 : i32
    %dma_start3A_380 = tpu.memref_slice %arg3[%mul3A_368, %dma_start3A_379] : memref<100000x256xf32, #tpu.memory_space<hbm>> -> memref<200x256xf32, #tpu.memory_space<hbm>>
    %dma_start3A_381 = arith.constant 0 : i32
    %dma_start3A_382 = arith.constant 0 : i32
    %dma_start3A_383 = tpu.memref_slice %arg4[%dma_start3A_369, %dma_start3A_381, %dma_start3A_382] : memref<2x200x256xf32, #tpu.memory_space<vmem>> -> memref<1x200x256xf32, #tpu.memory_space<vmem>>
    %dma_start3A_384 = tpu.memref_squeeze %dma_start3A_383 : memref<1x200x256xf32, #tpu.memory_space<vmem>> -> memref<200x256xf32, #tpu.memory_space<vmem>>
    tpu.enqueue_dma source(%dma_start3A_384 : memref<200x256xf32, #tpu.memory_space<vmem>>) target(%dma_start3A_380 : memref<200x256xf32, #tpu.memory_space<hbm>>) target_semaphore(%dma_start3A_378 : memref<!tpu.dma_semaphore, #tpu.memory_space<semaphore_mem>>)
    %dma_wait3A_385 = arith.constant 0 : i32
    %dma_wait3A_386 = arith.constant 0 : i32
    %dma_wait3A_387 = arith.constant 0 : i32
    %dma_wait3A_388 = arith.constant 0 : i32
    %dma_wait3A_389 = tpu.memref_slice %arg4[%dma_wait3A_385, %dma_wait3A_387, %dma_wait3A_388] : memref<2x200x256xf32, #tpu.memory_space<vmem>> -> memref<1x200x256xf32, #tpu.memory_space<vmem>>
    %dma_wait3A_390 = tpu.memref_squeeze %dma_wait3A_389 : memref<1x200x256xf32, #tpu.memory_space<vmem>> -> memref<200x256xf32, #tpu.memory_space<vmem>>
    %dma_wait3A_391 = arith.constant 0 : i32
    %dma_wait3A_392 = tpu.memref_slice %arg3[%mul3A_368, %dma_wait3A_391] : memref<100000x256xf32, #tpu.memory_space<hbm>> -> memref<200x256xf32, #tpu.memory_space<hbm>>
    %dma_wait3A_393 = tpu.memref_slice %arg6[%dma_wait3A_386] : memref<2x!tpu.dma_semaphore, #tpu.memory_space<semaphore_mem>> -> memref<1x!tpu.dma_semaphore, #tpu.memory_space<semaphore_mem>>
    %dma_wait3A_394 = tpu.memref_squeeze %dma_wait3A_393 : memref<1x!tpu.dma_semaphore, #tpu.memory_space<semaphore_mem>> -> memref<!tpu.dma_semaphore, #tpu.memory_space<semaphore_mem>>
    %dma_wait3A_395 = arith.constant 0 : i32
    %dma_wait3A_396 = tpu.memref_slice %arg3[%mul3A_368, %dma_wait3A_395] : memref<100000x256xf32, #tpu.memory_space<hbm>> -> memref<200x256xf32, #tpu.memory_space<hbm>>
    %dma_wait3A_397 = arith.constant 0 : i32
    %dma_wait3A_398 = arith.constant 0 : i32
    %dma_wait3A_399 = tpu.memref_slice %arg4[%dma_wait3A_385, %dma_wait3A_397, %dma_wait3A_398] : memref<2x200x256xf32, #tpu.memory_space<vmem>> -> memref<1x200x256xf32, #tpu.memory_space<vmem>>
    %dma_wait3A_400 = tpu.memref_squeeze %dma_wait3A_399 : memref<1x200x256xf32, #tpu.memory_space<vmem>> -> memref<200x256xf32, #tpu.memory_space<vmem>>
    tpu.wait_dma2 semaphore(%dma_wait3A_394 : memref<!tpu.dma_semaphore, #tpu.memory_space<semaphore_mem>>) src(%dma_wait3A_400 : memref<200x256xf32, #tpu.memory_space<vmem>>) dst(%dma_wait3A_396 : memref<200x256xf32, #tpu.memory_space<hbm>>)
    %add3A_401 = arith.constant 192 : i32
    %add3A_402 = arith.addi %add3A, %add3A_401 : i32
    %min3A_403 = arith.constant 499 : i32
    %min3A_404 = arith.minsi %add3A_402, %min3A_403 : i32
    %mul3A_405 = arith.constant 200 : i32
    %mul3A_406 = arith.muli %min3A_404, %mul3A_405 : i32
    %dma_start3A_407 = arith.constant 0 : i32
    %dma_start3A_408 = arith.constant 0 : i32
    %dma_start3A_409 = arith.constant 0 : i32
    %dma_start3A_410 = arith.constant 0 : i32
    %dma_start3A_411 = tpu.memref_slice %arg4[%dma_start3A_407, %dma_start3A_409, %dma_start3A_410] : memref<2x200x256xf32, #tpu.memory_space<vmem>> -> memref<1x200x256xf32, #tpu.memory_space<vmem>>
    %dma_start3A_412 = tpu.memref_squeeze %dma_start3A_411 : memref<1x200x256xf32, #tpu.memory_space<vmem>> -> memref<200x256xf32, #tpu.memory_space<vmem>>
    %dma_start3A_413 = arith.constant 0 : i32
    %dma_start3A_414 = tpu.memref_slice %arg2[%mul3A_406, %dma_start3A_413] : memref<100000x256xf32, #tpu.memory_space<hbm>> -> memref<200x256xf32, #tpu.memory_space<hbm>>
    %dma_start3A_415 = tpu.memref_slice %arg5[%dma_start3A_408] : memref<2x!tpu.dma_semaphore, #tpu.memory_space<semaphore_mem>> -> memref<1x!tpu.dma_semaphore, #tpu.memory_space<semaphore_mem>>
    %dma_start3A_416 = tpu.memref_squeeze %dma_start3A_415 : memref<1x!tpu.dma_semaphore, #tpu.memory_space<semaphore_mem>> -> memref<!tpu.dma_semaphore, #tpu.memory_space<semaphore_mem>>
    %dma_start3A_417 = arith.constant 0 : i32
    %dma_start3A_418 = arith.constant 0 : i32
    %dma_start3A_419 = tpu.memref_slice %arg4[%dma_start3A_407, %dma_start3A_417, %dma_start3A_418] : memref<2x200x256xf32, #tpu.memory_space<vmem>> -> memref<1x200x256xf32, #tpu.memory_space<vmem>>
    %dma_start3A_420 = tpu.memref_squeeze %dma_start3A_419 : memref<1x200x256xf32, #tpu.memory_space<vmem>> -> memref<200x256xf32, #tpu.memory_space<vmem>>
    %dma_start3A_421 = arith.constant 0 : i32
    %dma_start3A_422 = tpu.memref_slice %arg2[%mul3A_406, %dma_start3A_421] : memref<100000x256xf32, #tpu.memory_space<hbm>> -> memref<200x256xf32, #tpu.memory_space<hbm>>
    tpu.enqueue_dma source(%dma_start3A_422 : memref<200x256xf32, #tpu.memory_space<hbm>>) target(%dma_start3A_420 : memref<200x256xf32, #tpu.memory_space<vmem>>) target_semaphore(%dma_start3A_416 : memref<!tpu.dma_semaphore, #tpu.memory_space<semaphore_mem>>)
    %dma_wait3A_423 = arith.constant 1 : i32
    %dma_wait3A_424 = arith.constant 1 : i32
    %dma_wait3A_425 = arith.constant 0 : i32
    %dma_wait3A_426 = arith.constant 0 : i32
    %dma_wait3A_427 = tpu.memref_slice %arg4[%dma_wait3A_423, %dma_wait3A_425, %dma_wait3A_426] : memref<2x200x256xf32, #tpu.memory_space<vmem>> -> memref<1x200x256xf32, #tpu.memory_space<vmem>>
    %dma_wait3A_428 = tpu.memref_squeeze %dma_wait3A_427 : memref<1x200x256xf32, #tpu.memory_space<vmem>> -> memref<200x256xf32, #tpu.memory_space<vmem>>
    %dma_wait3A_429 = arith.constant 0 : i32
    %dma_wait3A_430 = tpu.memref_slice %arg2[%mul3A_330, %dma_wait3A_429] : memref<100000x256xf32, #tpu.memory_space<hbm>> -> memref<200x256xf32, #tpu.memory_space<hbm>>
    %dma_wait3A_431 = tpu.memref_slice %arg5[%dma_wait3A_424] : memref<2x!tpu.dma_semaphore, #tpu.memory_space<semaphore_mem>> -> memref<1x!tpu.dma_semaphore, #tpu.memory_space<semaphore_mem>>
    %dma_wait3A_432 = tpu.memref_squeeze %dma_wait3A_431 : memref<1x!tpu.dma_semaphore, #tpu.memory_space<semaphore_mem>> -> memref<!tpu.dma_semaphore, #tpu.memory_space<semaphore_mem>>
    %dma_wait3A_433 = arith.constant 0 : i32
    %dma_wait3A_434 = arith.constant 0 : i32
    %dma_wait3A_435 = tpu.memref_slice %arg4[%dma_wait3A_423, %dma_wait3A_433, %dma_wait3A_434] : memref<2x200x256xf32, #tpu.memory_space<vmem>> -> memref<1x200x256xf32, #tpu.memory_space<vmem>>
    %dma_wait3A_436 = tpu.memref_squeeze %dma_wait3A_435 : memref<1x200x256xf32, #tpu.memory_space<vmem>> -> memref<200x256xf32, #tpu.memory_space<vmem>>
    %dma_wait3A_437 = arith.constant 0 : i32
    %dma_wait3A_438 = tpu.memref_slice %arg2[%mul3A_330, %dma_wait3A_437] : memref<100000x256xf32, #tpu.memory_space<hbm>> -> memref<200x256xf32, #tpu.memory_space<hbm>>
    tpu.wait_dma2 semaphore(%dma_wait3A_432 : memref<!tpu.dma_semaphore, #tpu.memory_space<semaphore_mem>>) src(%dma_wait3A_438 : memref<200x256xf32, #tpu.memory_space<hbm>>) dst(%dma_wait3A_436 : memref<200x256xf32, #tpu.memory_space<vmem>>)
    %add3A_439 = arith.constant 160 : i32
    %add3A_440 = arith.addi %add3A, %add3A_439 : i32
    %min3A_441 = arith.constant 499 : i32
    %min3A_442 = arith.minsi %add3A_440, %min3A_441 : i32
    %mul3A_443 = arith.constant 200 : i32
    %mul3A_444 = arith.muli %min3A_442, %mul3A_443 : i32
    %dma_start3A_445 = arith.constant 1 : i32
    %dma_start3A_446 = arith.constant 1 : i32
    %dma_start3A_447 = arith.constant 0 : i32
    %dma_start3A_448 = arith.constant 0 : i32
    %dma_start3A_449 = tpu.memref_slice %arg4[%dma_start3A_445, %dma_start3A_447, %dma_start3A_448] : memref<2x200x256xf32, #tpu.memory_space<vmem>> -> memref<1x200x256xf32, #tpu.memory_space<vmem>>
    %dma_start3A_450 = tpu.memref_squeeze %dma_start3A_449 : memref<1x200x256xf32, #tpu.memory_space<vmem>> -> memref<200x256xf32, #tpu.memory_space<vmem>>
    %dma_start3A_451 = arith.constant 0 : i32
    %dma_start3A_452 = tpu.memref_slice %arg3[%mul3A_444, %dma_start3A_451] : memref<100000x256xf32, #tpu.memory_space<hbm>> -> memref<200x256xf32, #tpu.memory_space<hbm>>
    %dma_start3A_453 = tpu.memref_slice %arg6[%dma_start3A_446] : memref<2x!tpu.dma_semaphore, #tpu.memory_space<semaphore_mem>> -> memref<1x!tpu.dma_semaphore, #tpu.memory_space<semaphore_mem>>
    %dma_start3A_454 = tpu.memref_squeeze %dma_start3A_453 : memref<1x!tpu.dma_semaphore, #tpu.memory_space<semaphore_mem>> -> memref<!tpu.dma_semaphore, #tpu.memory_space<semaphore_mem>>
    %dma_start3A_455 = arith.constant 0 : i32
    %dma_start3A_456 = tpu.memref_slice %arg3[%mul3A_444, %dma_start3A_455] : memref<100000x256xf32, #tpu.memory_space<hbm>> -> memref<200x256xf32, #tpu.memory_space<hbm>>
    %dma_start3A_457 = arith.constant 0 : i32
    %dma_start3A_458 = arith.constant 0 : i32
    %dma_start3A_459 = tpu.memref_slice %arg4[%dma_start3A_445, %dma_start3A_457, %dma_start3A_458] : memref<2x200x256xf32, #tpu.memory_space<vmem>> -> memref<1x200x256xf32, #tpu.memory_space<vmem>>
    %dma_start3A_460 = tpu.memref_squeeze %dma_start3A_459 : memref<1x200x256xf32, #tpu.memory_space<vmem>> -> memref<200x256xf32, #tpu.memory_space<vmem>>
    tpu.enqueue_dma source(%dma_start3A_460 : memref<200x256xf32, #tpu.memory_space<vmem>>) target(%dma_start3A_456 : memref<200x256xf32, #tpu.memory_space<hbm>>) target_semaphore(%dma_start3A_454 : memref<!tpu.dma_semaphore, #tpu.memory_space<semaphore_mem>>)
    %dma_wait3A_461 = arith.constant 1 : i32
    %dma_wait3A_462 = arith.constant 1 : i32
    %dma_wait3A_463 = arith.constant 0 : i32
    %dma_wait3A_464 = arith.constant 0 : i32
    %dma_wait3A_465 = tpu.memref_slice %arg4[%dma_wait3A_461, %dma_wait3A_463, %dma_wait3A_464] : memref<2x200x256xf32, #tpu.memory_space<vmem>> -> memref<1x200x256xf32, #tpu.memory_space<vmem>>
    %dma_wait3A_466 = tpu.memref_squeeze %dma_wait3A_465 : memref<1x200x256xf32, #tpu.memory_space<vmem>> -> memref<200x256xf32, #tpu.memory_space<vmem>>
    %dma_wait3A_467 = arith.constant 0 : i32
    %dma_wait3A_468 = tpu.memref_slice %arg3[%mul3A_444, %dma_wait3A_467] : memref<100000x256xf32, #tpu.memory_space<hbm>> -> memref<200x256xf32, #tpu.memory_space<hbm>>
    %dma_wait3A_469 = tpu.memref_slice %arg6[%dma_wait3A_462] : memref<2x!tpu.dma_semaphore, #tpu.memory_space<semaphore_mem>> -> memref<1x!tpu.dma_semaphore, #tpu.memory_space<semaphore_mem>>
    %dma_wait3A_470 = tpu.memref_squeeze %dma_wait3A_469 : memref<1x!tpu.dma_semaphore, #tpu.memory_space<semaphore_mem>> -> memref<!tpu.dma_semaphore, #tpu.memory_space<semaphore_mem>>
    %dma_wait3A_471 = arith.constant 0 : i32
    %dma_wait3A_472 = tpu.memref_slice %arg3[%mul3A_444, %dma_wait3A_471] : memref<100000x256xf32, #tpu.memory_space<hbm>> -> memref<200x256xf32, #tpu.memory_space<hbm>>
    %dma_wait3A_473 = arith.constant 0 : i32
    %dma_wait3A_474 = arith.constant 0 : i32
    %dma_wait3A_475 = tpu.memref_slice %arg4[%dma_wait3A_461, %dma_wait3A_473, %dma_wait3A_474] : memref<2x200x256xf32, #tpu.memory_space<vmem>> -> memref<1x200x256xf32, #tpu.memory_space<vmem>>
    %dma_wait3A_476 = tpu.memref_squeeze %dma_wait3A_475 : memref<1x200x256xf32, #tpu.memory_space<vmem>> -> memref<200x256xf32, #tpu.memory_space<vmem>>
    tpu.wait_dma2 semaphore(%dma_wait3A_470 : memref<!tpu.dma_semaphore, #tpu.memory_space<semaphore_mem>>) src(%dma_wait3A_476 : memref<200x256xf32, #tpu.memory_space<vmem>>) dst(%dma_wait3A_472 : memref<200x256xf32, #tpu.memory_space<hbm>>)
    %add3A_477 = arith.constant 224 : i32
    %add3A_478 = arith.addi %add3A, %add3A_477 : i32
    %min3A_479 = arith.constant 499 : i32
    %min3A_480 = arith.minsi %add3A_478, %min3A_479 : i32
    %mul3A_481 = arith.constant 200 : i32
    %mul3A_482 = arith.muli %min3A_480, %mul3A_481 : i32
    %dma_start3A_483 = arith.constant 1 : i32
    %dma_start3A_484 = arith.constant 1 : i32
    %dma_start3A_485 = arith.constant 0 : i32
    %dma_start3A_486 = arith.constant 0 : i32
    %dma_start3A_487 = tpu.memref_slice %arg4[%dma_start3A_483, %dma_start3A_485, %dma_start3A_486] : memref<2x200x256xf32, #tpu.memory_space<vmem>> -> memref<1x200x256xf32, #tpu.memory_space<vmem>>
    %dma_start3A_488 = tpu.memref_squeeze %dma_start3A_487 : memref<1x200x256xf32, #tpu.memory_space<vmem>> -> memref<200x256xf32, #tpu.memory_space<vmem>>
    %dma_start3A_489 = arith.constant 0 : i32
    %dma_start3A_490 = tpu.memref_slice %arg2[%mul3A_482, %dma_start3A_489] : memref<100000x256xf32, #tpu.memory_space<hbm>> -> memref<200x256xf32, #tpu.memory_space<hbm>>
    %dma_start3A_491 = tpu.memref_slice %arg5[%dma_start3A_484] : memref<2x!tpu.dma_semaphore, #tpu.memory_space<semaphore_mem>> -> memref<1x!tpu.dma_semaphore, #tpu.memory_space<semaphore_mem>>
    %dma_start3A_492 = tpu.memref_squeeze %dma_start3A_491 : memref<1x!tpu.dma_semaphore, #tpu.memory_space<semaphore_mem>> -> memref<!tpu.dma_semaphore, #tpu.memory_space<semaphore_mem>>
    %dma_start3A_493 = arith.constant 0 : i32
    %dma_start3A_494 = arith.constant 0 : i32
    %dma_start3A_495 = tpu.memref_slice %arg4[%dma_start3A_483, %dma_start3A_493, %dma_start3A_494] : memref<2x200x256xf32, #tpu.memory_space<vmem>> -> memref<1x200x256xf32, #tpu.memory_space<vmem>>
    %dma_start3A_496 = tpu.memref_squeeze %dma_start3A_495 : memref<1x200x256xf32, #tpu.memory_space<vmem>> -> memref<200x256xf32, #tpu.memory_space<vmem>>
    %dma_start3A_497 = arith.constant 0 : i32
    %dma_start3A_498 = tpu.memref_slice %arg2[%mul3A_482, %dma_start3A_497] : memref<100000x256xf32, #tpu.memory_space<hbm>> -> memref<200x256xf32, #tpu.memory_space<hbm>>
    tpu.enqueue_dma source(%dma_start3A_498 : memref<200x256xf32, #tpu.memory_space<hbm>>) target(%dma_start3A_496 : memref<200x256xf32, #tpu.memory_space<vmem>>) target_semaphore(%dma_start3A_492 : memref<!tpu.dma_semaphore, #tpu.memory_space<semaphore_mem>>)
    %dma_wait3A_499 = arith.constant 0 : i32
    %dma_wait3A_500 = arith.constant 0 : i32
    %dma_wait3A_501 = arith.constant 0 : i32
    %dma_wait3A_502 = arith.constant 0 : i32
    %dma_wait3A_503 = tpu.memref_slice %arg4[%dma_wait3A_499, %dma_wait3A_501, %dma_wait3A_502] : memref<2x200x256xf32, #tpu.memory_space<vmem>> -> memref<1x200x256xf32, #tpu.memory_space<vmem>>
    %dma_wait3A_504 = tpu.memref_squeeze %dma_wait3A_503 : memref<1x200x256xf32, #tpu.memory_space<vmem>> -> memref<200x256xf32, #tpu.memory_space<vmem>>
    %dma_wait3A_505 = arith.constant 0 : i32
    %dma_wait3A_506 = tpu.memref_slice %arg2[%mul3A_406, %dma_wait3A_505] : memref<100000x256xf32, #tpu.memory_space<hbm>> -> memref<200x256xf32, #tpu.memory_space<hbm>>
    %dma_wait3A_507 = tpu.memref_slice %arg5[%dma_wait3A_500] : memref<2x!tpu.dma_semaphore, #tpu.memory_space<semaphore_mem>> -> memref<1x!tpu.dma_semaphore, #tpu.memory_space<semaphore_mem>>
    %dma_wait3A_508 = tpu.memref_squeeze %dma_wait3A_507 : memref<1x!tpu.dma_semaphore, #tpu.memory_space<semaphore_mem>> -> memref<!tpu.dma_semaphore, #tpu.memory_space<semaphore_mem>>
    %dma_wait3A_509 = arith.constant 0 : i32
    %dma_wait3A_510 = arith.constant 0 : i32
    %dma_wait3A_511 = tpu.memref_slice %arg4[%dma_wait3A_499, %dma_wait3A_509, %dma_wait3A_510] : memref<2x200x256xf32, #tpu.memory_space<vmem>> -> memref<1x200x256xf32, #tpu.memory_space<vmem>>
    %dma_wait3A_512 = tpu.memref_squeeze %dma_wait3A_511 : memref<1x200x256xf32, #tpu.memory_space<vmem>> -> memref<200x256xf32, #tpu.memory_space<vmem>>
    %dma_wait3A_513 = arith.constant 0 : i32
    %dma_wait3A_514 = tpu.memref_slice %arg2[%mul3A_406, %dma_wait3A_513] : memref<100000x256xf32, #tpu.memory_space<hbm>> -> memref<200x256xf32, #tpu.memory_space<hbm>>
    tpu.wait_dma2 semaphore(%dma_wait3A_508 : memref<!tpu.dma_semaphore, #tpu.memory_space<semaphore_mem>>) src(%dma_wait3A_514 : memref<200x256xf32, #tpu.memory_space<hbm>>) dst(%dma_wait3A_512 : memref<200x256xf32, #tpu.memory_space<vmem>>)
    %add3A_515 = arith.constant 192 : i32
    %add3A_516 = arith.addi %add3A, %add3A_515 : i32
    %min3A_517 = arith.constant 499 : i32
    %min3A_518 = arith.minsi %add3A_516, %min3A_517 : i32
    %mul3A_519 = arith.constant 200 : i32
    %mul3A_520 = arith.muli %min3A_518, %mul3A_519 : i32
    %dma_start3A_521 = arith.constant 0 : i32
    %dma_start3A_522 = arith.constant 0 : i32
    %dma_start3A_523 = arith.constant 0 : i32
    %dma_start3A_524 = arith.constant 0 : i32
    %dma_start3A_525 = tpu.memref_slice %arg4[%dma_start3A_521, %dma_start3A_523, %dma_start3A_524] : memref<2x200x256xf32, #tpu.memory_space<vmem>> -> memref<1x200x256xf32, #tpu.memory_space<vmem>>
    %dma_start3A_526 = tpu.memref_squeeze %dma_start3A_525 : memref<1x200x256xf32, #tpu.memory_space<vmem>> -> memref<200x256xf32, #tpu.memory_space<vmem>>
    %dma_start3A_527 = arith.constant 0 : i32
    %dma_start3A_528 = tpu.memref_slice %arg3[%mul3A_520, %dma_start3A_527] : memref<100000x256xf32, #tpu.memory_space<hbm>> -> memref<200x256xf32, #tpu.memory_space<hbm>>
    %dma_start3A_529 = tpu.memref_slice %arg6[%dma_start3A_522] : memref<2x!tpu.dma_semaphore, #tpu.memory_space<semaphore_mem>> -> memref<1x!tpu.dma_semaphore, #tpu.memory_space<semaphore_mem>>
    %dma_start3A_530 = tpu.memref_squeeze %dma_start3A_529 : memref<1x!tpu.dma_semaphore, #tpu.memory_space<semaphore_mem>> -> memref<!tpu.dma_semaphore, #tpu.memory_space<semaphore_mem>>
    %dma_start3A_531 = arith.constant 0 : i32
    %dma_start3A_532 = tpu.memref_slice %arg3[%mul3A_520, %dma_start3A_531] : memref<100000x256xf32, #tpu.memory_space<hbm>> -> memref<200x256xf32, #tpu.memory_space<hbm>>
    %dma_start3A_533 = arith.constant 0 : i32
    %dma_start3A_534 = arith.constant 0 : i32
    %dma_start3A_535 = tpu.memref_slice %arg4[%dma_start3A_521, %dma_start3A_533, %dma_start3A_534] : memref<2x200x256xf32, #tpu.memory_space<vmem>> -> memref<1x200x256xf32, #tpu.memory_space<vmem>>
    %dma_start3A_536 = tpu.memref_squeeze %dma_start3A_535 : memref<1x200x256xf32, #tpu.memory_space<vmem>> -> memref<200x256xf32, #tpu.memory_space<vmem>>
    tpu.enqueue_dma source(%dma_start3A_536 : memref<200x256xf32, #tpu.memory_space<vmem>>) target(%dma_start3A_532 : memref<200x256xf32, #tpu.memory_space<hbm>>) target_semaphore(%dma_start3A_530 : memref<!tpu.dma_semaphore, #tpu.memory_space<semaphore_mem>>)
    %dma_wait3A_537 = arith.constant 0 : i32
    %dma_wait3A_538 = arith.constant 0 : i32
    %dma_wait3A_539 = arith.constant 0 : i32
    %dma_wait3A_540 = arith.constant 0 : i32
    %dma_wait3A_541 = tpu.memref_slice %arg4[%dma_wait3A_537, %dma_wait3A_539, %dma_wait3A_540] : memref<2x200x256xf32, #tpu.memory_space<vmem>> -> memref<1x200x256xf32, #tpu.memory_space<vmem>>
    %dma_wait3A_542 = tpu.memref_squeeze %dma_wait3A_541 : memref<1x200x256xf32, #tpu.memory_space<vmem>> -> memref<200x256xf32, #tpu.memory_space<vmem>>
    %dma_wait3A_543 = arith.constant 0 : i32
    %dma_wait3A_544 = tpu.memref_slice %arg3[%mul3A_520, %dma_wait3A_543] : memref<100000x256xf32, #tpu.memory_space<hbm>> -> memref<200x256xf32, #tpu.memory_space<hbm>>
    %dma_wait3A_545 = tpu.memref_slice %arg6[%dma_wait3A_538] : memref<2x!tpu.dma_semaphore, #tpu.memory_space<semaphore_mem>> -> memref<1x!tpu.dma_semaphore, #tpu.memory_space<semaphore_mem>>
    %dma_wait3A_546 = tpu.memref_squeeze %dma_wait3A_545 : memref<1x!tpu.dma_semaphore, #tpu.memory_space<semaphore_mem>> -> memref<!tpu.dma_semaphore, #tpu.memory_space<semaphore_mem>>
    %dma_wait3A_547 = arith.constant 0 : i32
    %dma_wait3A_548 = tpu.memref_slice %arg3[%mul3A_520, %dma_wait3A_547] : memref<100000x256xf32, #tpu.memory_space<hbm>> -> memref<200x256xf32, #tpu.memory_space<hbm>>
    %dma_wait3A_549 = arith.constant 0 : i32
    %dma_wait3A_550 = arith.constant 0 : i32
    %dma_wait3A_551 = tpu.memref_slice %arg4[%dma_wait3A_537, %dma_wait3A_549, %dma_wait3A_550] : memref<2x200x256xf32, #tpu.memory_space<vmem>> -> memref<1x200x256xf32, #tpu.memory_space<vmem>>
    %dma_wait3A_552 = tpu.memref_squeeze %dma_wait3A_551 : memref<1x200x256xf32, #tpu.memory_space<vmem>> -> memref<200x256xf32, #tpu.memory_space<vmem>>
    tpu.wait_dma2 semaphore(%dma_wait3A_546 : memref<!tpu.dma_semaphore, #tpu.memory_space<semaphore_mem>>) src(%dma_wait3A_552 : memref<200x256xf32, #tpu.memory_space<vmem>>) dst(%dma_wait3A_548 : memref<200x256xf32, #tpu.memory_space<hbm>>)
    %add3A_553 = arith.constant 256 : i32
    %add3A_554 = arith.addi %add3A, %add3A_553 : i32
    %min3A_555 = arith.constant 499 : i32
    %min3A_556 = arith.minsi %add3A_554, %min3A_555 : i32
    %mul3A_557 = arith.constant 200 : i32
    %mul3A_558 = arith.muli %min3A_556, %mul3A_557 : i32
    %dma_start3A_559 = arith.constant 0 : i32
    %dma_start3A_560 = arith.constant 0 : i32
    %dma_start3A_561 = arith.constant 0 : i32
    %dma_start3A_562 = arith.constant 0 : i32
    %dma_start3A_563 = tpu.memref_slice %arg4[%dma_start3A_559, %dma_start3A_561, %dma_start3A_562] : memref<2x200x256xf32, #tpu.memory_space<vmem>> -> memref<1x200x256xf32, #tpu.memory_space<vmem>>
    %dma_start3A_564 = tpu.memref_squeeze %dma_start3A_563 : memref<1x200x256xf32, #tpu.memory_space<vmem>> -> memref<200x256xf32, #tpu.memory_space<vmem>>
    %dma_start3A_565 = arith.constant 0 : i32
    %dma_start3A_566 = tpu.memref_slice %arg2[%mul3A_558, %dma_start3A_565] : memref<100000x256xf32, #tpu.memory_space<hbm>> -> memref<200x256xf32, #tpu.memory_space<hbm>>
    %dma_start3A_567 = tpu.memref_slice %arg5[%dma_start3A_560] : memref<2x!tpu.dma_semaphore, #tpu.memory_space<semaphore_mem>> -> memref<1x!tpu.dma_semaphore, #tpu.memory_space<semaphore_mem>>
    %dma_start3A_568 = tpu.memref_squeeze %dma_start3A_567 : memref<1x!tpu.dma_semaphore, #tpu.memory_space<semaphore_mem>> -> memref<!tpu.dma_semaphore, #tpu.memory_space<semaphore_mem>>
    %dma_start3A_569 = arith.constant 0 : i32
    %dma_start3A_570 = arith.constant 0 : i32
    %dma_start3A_571 = tpu.memref_slice %arg4[%dma_start3A_559, %dma_start3A_569, %dma_start3A_570] : memref<2x200x256xf32, #tpu.memory_space<vmem>> -> memref<1x200x256xf32, #tpu.memory_space<vmem>>
    %dma_start3A_572 = tpu.memref_squeeze %dma_start3A_571 : memref<1x200x256xf32, #tpu.memory_space<vmem>> -> memref<200x256xf32, #tpu.memory_space<vmem>>
    %dma_start3A_573 = arith.constant 0 : i32
    %dma_start3A_574 = tpu.memref_slice %arg2[%mul3A_558, %dma_start3A_573] : memref<100000x256xf32, #tpu.memory_space<hbm>> -> memref<200x256xf32, #tpu.memory_space<hbm>>
    tpu.enqueue_dma source(%dma_start3A_574 : memref<200x256xf32, #tpu.memory_space<hbm>>) target(%dma_start3A_572 : memref<200x256xf32, #tpu.memory_space<vmem>>) target_semaphore(%dma_start3A_568 : memref<!tpu.dma_semaphore, #tpu.memory_space<semaphore_mem>>)
    %dma_wait3A_575 = arith.constant 1 : i32
    %dma_wait3A_576 = arith.constant 1 : i32
    %dma_wait3A_577 = arith.constant 0 : i32
    %dma_wait3A_578 = arith.constant 0 : i32
    %dma_wait3A_579 = tpu.memref_slice %arg4[%dma_wait3A_575, %dma_wait3A_577, %dma_wait3A_578] : memref<2x200x256xf32, #tpu.memory_space<vmem>> -> memref<1x200x256xf32, #tpu.memory_space<vmem>>
    %dma_wait3A_580 = tpu.memref_squeeze %dma_wait3A_579 : memref<1x200x256xf32, #tpu.memory_space<vmem>> -> memref<200x256xf32, #tpu.memory_space<vmem>>
    %dma_wait3A_581 = arith.constant 0 : i32
    %dma_wait3A_582 = tpu.memref_slice %arg2[%mul3A_482, %dma_wait3A_581] : memref<100000x256xf32, #tpu.memory_space<hbm>> -> memref<200x256xf32, #tpu.memory_space<hbm>>
    %dma_wait3A_583 = tpu.memref_slice %arg5[%dma_wait3A_576] : memref<2x!tpu.dma_semaphore, #tpu.memory_space<semaphore_mem>> -> memref<1x!tpu.dma_semaphore, #tpu.memory_space<semaphore_mem>>
    %dma_wait3A_584 = tpu.memref_squeeze %dma_wait3A_583 : memref<1x!tpu.dma_semaphore, #tpu.memory_space<semaphore_mem>> -> memref<!tpu.dma_semaphore, #tpu.memory_space<semaphore_mem>>
    %dma_wait3A_585 = arith.constant 0 : i32
    %dma_wait3A_586 = arith.constant 0 : i32
    %dma_wait3A_587 = tpu.memref_slice %arg4[%dma_wait3A_575, %dma_wait3A_585, %dma_wait3A_586] : memref<2x200x256xf32, #tpu.memory_space<vmem>> -> memref<1x200x256xf32, #tpu.memory_space<vmem>>
    %dma_wait3A_588 = tpu.memref_squeeze %dma_wait3A_587 : memref<1x200x256xf32, #tpu.memory_space<vmem>> -> memref<200x256xf32, #tpu.memory_space<vmem>>
    %dma_wait3A_589 = arith.constant 0 : i32
    %dma_wait3A_590 = tpu.memref_slice %arg2[%mul3A_482, %dma_wait3A_589] : memref<100000x256xf32, #tpu.memory_space<hbm>> -> memref<200x256xf32, #tpu.memory_space<hbm>>
    tpu.wait_dma2 semaphore(%dma_wait3A_584 : memref<!tpu.dma_semaphore, #tpu.memory_space<semaphore_mem>>) src(%dma_wait3A_590 : memref<200x256xf32, #tpu.memory_space<hbm>>) dst(%dma_wait3A_588 : memref<200x256xf32, #tpu.memory_space<vmem>>)
    %add3A_591 = arith.constant 224 : i32
    %add3A_592 = arith.addi %add3A, %add3A_591 : i32
    %min3A_593 = arith.constant 499 : i32
    %min3A_594 = arith.minsi %add3A_592, %min3A_593 : i32
    %mul3A_595 = arith.constant 200 : i32
    %mul3A_596 = arith.muli %min3A_594, %mul3A_595 : i32
    %dma_start3A_597 = arith.constant 1 : i32
    %dma_start3A_598 = arith.constant 1 : i32
    %dma_start3A_599 = arith.constant 0 : i32
    %dma_start3A_600 = arith.constant 0 : i32
    %dma_start3A_601 = tpu.memref_slice %arg4[%dma_start3A_597, %dma_start3A_599, %dma_start3A_600] : memref<2x200x256xf32, #tpu.memory_space<vmem>> -> memref<1x200x256xf32, #tpu.memory_space<vmem>>
    %dma_start3A_602 = tpu.memref_squeeze %dma_start3A_601 : memref<1x200x256xf32, #tpu.memory_space<vmem>> -> memref<200x256xf32, #tpu.memory_space<vmem>>
    %dma_start3A_603 = arith.constant 0 : i32
    %dma_start3A_604 = tpu.memref_slice %arg3[%mul3A_596, %dma_start3A_603] : memref<100000x256xf32, #tpu.memory_space<hbm>> -> memref<200x256xf32, #tpu.memory_space<hbm>>
    %dma_start3A_605 = tpu.memref_slice %arg6[%dma_start3A_598] : memref<2x!tpu.dma_semaphore, #tpu.memory_space<semaphore_mem>> -> memref<1x!tpu.dma_semaphore, #tpu.memory_space<semaphore_mem>>
    %dma_start3A_606 = tpu.memref_squeeze %dma_start3A_605 : memref<1x!tpu.dma_semaphore, #tpu.memory_space<semaphore_mem>> -> memref<!tpu.dma_semaphore, #tpu.memory_space<semaphore_mem>>
    %dma_start3A_607 = arith.constant 0 : i32
    %dma_start3A_608 = tpu.memref_slice %arg3[%mul3A_596, %dma_start3A_607] : memref<100000x256xf32, #tpu.memory_space<hbm>> -> memref<200x256xf32, #tpu.memory_space<hbm>>
    %dma_start3A_609 = arith.constant 0 : i32
    %dma_start3A_610 = arith.constant 0 : i32
    %dma_start3A_611 = tpu.memref_slice %arg4[%dma_start3A_597, %dma_start3A_609, %dma_start3A_610] : memref<2x200x256xf32, #tpu.memory_space<vmem>> -> memref<1x200x256xf32, #tpu.memory_space<vmem>>
    %dma_start3A_612 = tpu.memref_squeeze %dma_start3A_611 : memref<1x200x256xf32, #tpu.memory_space<vmem>> -> memref<200x256xf32, #tpu.memory_space<vmem>>
    tpu.enqueue_dma source(%dma_start3A_612 : memref<200x256xf32, #tpu.memory_space<vmem>>) target(%dma_start3A_608 : memref<200x256xf32, #tpu.memory_space<hbm>>) target_semaphore(%dma_start3A_606 : memref<!tpu.dma_semaphore, #tpu.memory_space<semaphore_mem>>)
    %dma_wait3A_613 = arith.constant 1 : i32
    %dma_wait3A_614 = arith.constant 1 : i32
    %dma_wait3A_615 = arith.constant 0 : i32
    %dma_wait3A_616 = arith.constant 0 : i32
    %dma_wait3A_617 = tpu.memref_slice %arg4[%dma_wait3A_613, %dma_wait3A_615, %dma_wait3A_616] : memref<2x200x256xf32, #tpu.memory_space<vmem>> -> memref<1x200x256xf32, #tpu.memory_space<vmem>>
    %dma_wait3A_618 = tpu.memref_squeeze %dma_wait3A_617 : memref<1x200x256xf32, #tpu.memory_space<vmem>> -> memref<200x256xf32, #tpu.memory_space<vmem>>
    %dma_wait3A_619 = arith.constant 0 : i32
    %dma_wait3A_620 = tpu.memref_slice %arg3[%mul3A_596, %dma_wait3A_619] : memref<100000x256xf32, #tpu.memory_space<hbm>> -> memref<200x256xf32, #tpu.memory_space<hbm>>
    %dma_wait3A_621 = tpu.memref_slice %arg6[%dma_wait3A_614] : memref<2x!tpu.dma_semaphore, #tpu.memory_space<semaphore_mem>> -> memref<1x!tpu.dma_semaphore, #tpu.memory_space<semaphore_mem>>
    %dma_wait3A_622 = tpu.memref_squeeze %dma_wait3A_621 : memref<1x!tpu.dma_semaphore, #tpu.memory_space<semaphore_mem>> -> memref<!tpu.dma_semaphore, #tpu.memory_space<semaphore_mem>>
    %dma_wait3A_623 = arith.constant 0 : i32
    %dma_wait3A_624 = tpu.memref_slice %arg3[%mul3A_596, %dma_wait3A_623] : memref<100000x256xf32, #tpu.memory_space<hbm>> -> memref<200x256xf32, #tpu.memory_space<hbm>>
    %dma_wait3A_625 = arith.constant 0 : i32
    %dma_wait3A_626 = arith.constant 0 : i32
    %dma_wait3A_627 = tpu.memref_slice %arg4[%dma_wait3A_613, %dma_wait3A_625, %dma_wait3A_626] : memref<2x200x256xf32, #tpu.memory_space<vmem>> -> memref<1x200x256xf32, #tpu.memory_space<vmem>>
    %dma_wait3A_628 = tpu.memref_squeeze %dma_wait3A_627 : memref<1x200x256xf32, #tpu.memory_space<vmem>> -> memref<200x256xf32, #tpu.memory_space<vmem>>
    tpu.wait_dma2 semaphore(%dma_wait3A_622 : memref<!tpu.dma_semaphore, #tpu.memory_space<semaphore_mem>>) src(%dma_wait3A_628 : memref<200x256xf32, #tpu.memory_space<vmem>>) dst(%dma_wait3A_624 : memref<200x256xf32, #tpu.memory_space<hbm>>)
    %add3A_629 = arith.constant 288 : i32
    %add3A_630 = arith.addi %add3A, %add3A_629 : i32
    %min3A_631 = arith.constant 499 : i32
    %min3A_632 = arith.minsi %add3A_630, %min3A_631 : i32
    %mul3A_633 = arith.constant 200 : i32
    %mul3A_634 = arith.muli %min3A_632, %mul3A_633 : i32
    %dma_start3A_635 = arith.constant 1 : i32
    %dma_start3A_636 = arith.constant 1 : i32
    %dma_start3A_637 = arith.constant 0 : i32
    %dma_start3A_638 = arith.constant 0 : i32
    %dma_start3A_639 = tpu.memref_slice %arg4[%dma_start3A_635, %dma_start3A_637, %dma_start3A_638] : memref<2x200x256xf32, #tpu.memory_space<vmem>> -> memref<1x200x256xf32, #tpu.memory_space<vmem>>
    %dma_start3A_640 = tpu.memref_squeeze %dma_start3A_639 : memref<1x200x256xf32, #tpu.memory_space<vmem>> -> memref<200x256xf32, #tpu.memory_space<vmem>>
    %dma_start3A_641 = arith.constant 0 : i32
    %dma_start3A_642 = tpu.memref_slice %arg2[%mul3A_634, %dma_start3A_641] : memref<100000x256xf32, #tpu.memory_space<hbm>> -> memref<200x256xf32, #tpu.memory_space<hbm>>
    %dma_start3A_643 = tpu.memref_slice %arg5[%dma_start3A_636] : memref<2x!tpu.dma_semaphore, #tpu.memory_space<semaphore_mem>> -> memref<1x!tpu.dma_semaphore, #tpu.memory_space<semaphore_mem>>
    %dma_start3A_644 = tpu.memref_squeeze %dma_start3A_643 : memref<1x!tpu.dma_semaphore, #tpu.memory_space<semaphore_mem>> -> memref<!tpu.dma_semaphore, #tpu.memory_space<semaphore_mem>>
    %dma_start3A_645 = arith.constant 0 : i32
    %dma_start3A_646 = arith.constant 0 : i32
    %dma_start3A_647 = tpu.memref_slice %arg4[%dma_start3A_635, %dma_start3A_645, %dma_start3A_646] : memref<2x200x256xf32, #tpu.memory_space<vmem>> -> memref<1x200x256xf32, #tpu.memory_space<vmem>>
    %dma_start3A_648 = tpu.memref_squeeze %dma_start3A_647 : memref<1x200x256xf32, #tpu.memory_space<vmem>> -> memref<200x256xf32, #tpu.memory_space<vmem>>
    %dma_start3A_649 = arith.constant 0 : i32
    %dma_start3A_650 = tpu.memref_slice %arg2[%mul3A_634, %dma_start3A_649] : memref<100000x256xf32, #tpu.memory_space<hbm>> -> memref<200x256xf32, #tpu.memory_space<hbm>>
    tpu.enqueue_dma source(%dma_start3A_650 : memref<200x256xf32, #tpu.memory_space<hbm>>) target(%dma_start3A_648 : memref<200x256xf32, #tpu.memory_space<vmem>>) target_semaphore(%dma_start3A_644 : memref<!tpu.dma_semaphore, #tpu.memory_space<semaphore_mem>>)
    %dma_wait3A_651 = arith.constant 0 : i32
    %dma_wait3A_652 = arith.constant 0 : i32
    %dma_wait3A_653 = arith.constant 0 : i32
    %dma_wait3A_654 = arith.constant 0 : i32
    %dma_wait3A_655 = tpu.memref_slice %arg4[%dma_wait3A_651, %dma_wait3A_653, %dma_wait3A_654] : memref<2x200x256xf32, #tpu.memory_space<vmem>> -> memref<1x200x256xf32, #tpu.memory_space<vmem>>
    %dma_wait3A_656 = tpu.memref_squeeze %dma_wait3A_655 : memref<1x200x256xf32, #tpu.memory_space<vmem>> -> memref<200x256xf32, #tpu.memory_space<vmem>>
    %dma_wait3A_657 = arith.constant 0 : i32
    %dma_wait3A_658 = tpu.memref_slice %arg2[%mul3A_558, %dma_wait3A_657] : memref<100000x256xf32, #tpu.memory_space<hbm>> -> memref<200x256xf32, #tpu.memory_space<hbm>>
    %dma_wait3A_659 = tpu.memref_slice %arg5[%dma_wait3A_652] : memref<2x!tpu.dma_semaphore, #tpu.memory_space<semaphore_mem>> -> memref<1x!tpu.dma_semaphore, #tpu.memory_space<semaphore_mem>>
    %dma_wait3A_660 = tpu.memref_squeeze %dma_wait3A_659 : memref<1x!tpu.dma_semaphore, #tpu.memory_space<semaphore_mem>> -> memref<!tpu.dma_semaphore, #tpu.memory_space<semaphore_mem>>
    %dma_wait3A_661 = arith.constant 0 : i32
    %dma_wait3A_662 = arith.constant 0 : i32
    %dma_wait3A_663 = tpu.memref_slice %arg4[%dma_wait3A_651, %dma_wait3A_661, %dma_wait3A_662] : memref<2x200x256xf32, #tpu.memory_space<vmem>> -> memref<1x200x256xf32, #tpu.memory_space<vmem>>
    %dma_wait3A_664 = tpu.memref_squeeze %dma_wait3A_663 : memref<1x200x256xf32, #tpu.memory_space<vmem>> -> memref<200x256xf32, #tpu.memory_space<vmem>>
    %dma_wait3A_665 = arith.constant 0 : i32
    %dma_wait3A_666 = tpu.memref_slice %arg2[%mul3A_558, %dma_wait3A_665] : memref<100000x256xf32, #tpu.memory_space<hbm>> -> memref<200x256xf32, #tpu.memory_space<hbm>>
    tpu.wait_dma2 semaphore(%dma_wait3A_660 : memref<!tpu.dma_semaphore, #tpu.memory_space<semaphore_mem>>) src(%dma_wait3A_666 : memref<200x256xf32, #tpu.memory_space<hbm>>) dst(%dma_wait3A_664 : memref<200x256xf32, #tpu.memory_space<vmem>>)
    %add3A_667 = arith.constant 256 : i32
    %add3A_668 = arith.addi %add3A, %add3A_667 : i32
    %min3A_669 = arith.constant 499 : i32
    %min3A_670 = arith.minsi %add3A_668, %min3A_669 : i32
    %mul3A_671 = arith.constant 200 : i32
    %mul3A_672 = arith.muli %min3A_670, %mul3A_671 : i32
    %dma_start3A_673 = arith.constant 0 : i32
    %dma_start3A_674 = arith.constant 0 : i32
    %dma_start3A_675 = arith.constant 0 : i32
    %dma_start3A_676 = arith.constant 0 : i32
    %dma_start3A_677 = tpu.memref_slice %arg4[%dma_start3A_673, %dma_start3A_675, %dma_start3A_676] : memref<2x200x256xf32, #tpu.memory_space<vmem>> -> memref<1x200x256xf32, #tpu.memory_space<vmem>>
    %dma_start3A_678 = tpu.memref_squeeze %dma_start3A_677 : memref<1x200x256xf32, #tpu.memory_space<vmem>> -> memref<200x256xf32, #tpu.memory_space<vmem>>
    %dma_start3A_679 = arith.constant 0 : i32
    %dma_start3A_680 = tpu.memref_slice %arg3[%mul3A_672, %dma_start3A_679] : memref<100000x256xf32, #tpu.memory_space<hbm>> -> memref<200x256xf32, #tpu.memory_space<hbm>>
    %dma_start3A_681 = tpu.memref_slice %arg6[%dma_start3A_674] : memref<2x!tpu.dma_semaphore, #tpu.memory_space<semaphore_mem>> -> memref<1x!tpu.dma_semaphore, #tpu.memory_space<semaphore_mem>>
    %dma_start3A_682 = tpu.memref_squeeze %dma_start3A_681 : memref<1x!tpu.dma_semaphore, #tpu.memory_space<semaphore_mem>> -> memref<!tpu.dma_semaphore, #tpu.memory_space<semaphore_mem>>
    %dma_start3A_683 = arith.constant 0 : i32
    %dma_start3A_684 = tpu.memref_slice %arg3[%mul3A_672, %dma_start3A_683] : memref<100000x256xf32, #tpu.memory_space<hbm>> -> memref<200x256xf32, #tpu.memory_space<hbm>>
    %dma_start3A_685 = arith.constant 0 : i32
    %dma_start3A_686 = arith.constant 0 : i32
    %dma_start3A_687 = tpu.memref_slice %arg4[%dma_start3A_673, %dma_start3A_685, %dma_start3A_686] : memref<2x200x256xf32, #tpu.memory_space<vmem>> -> memref<1x200x256xf32, #tpu.memory_space<vmem>>
    %dma_start3A_688 = tpu.memref_squeeze %dma_start3A_687 : memref<1x200x256xf32, #tpu.memory_space<vmem>> -> memref<200x256xf32, #tpu.memory_space<vmem>>
    tpu.enqueue_dma source(%dma_start3A_688 : memref<200x256xf32, #tpu.memory_space<vmem>>) target(%dma_start3A_684 : memref<200x256xf32, #tpu.memory_space<hbm>>) target_semaphore(%dma_start3A_682 : memref<!tpu.dma_semaphore, #tpu.memory_space<semaphore_mem>>)
    %dma_wait3A_689 = arith.constant 0 : i32
    %dma_wait3A_690 = arith.constant 0 : i32
    %dma_wait3A_691 = arith.constant 0 : i32
    %dma_wait3A_692 = arith.constant 0 : i32
    %dma_wait3A_693 = tpu.memref_slice %arg4[%dma_wait3A_689, %dma_wait3A_691, %dma_wait3A_692] : memref<2x200x256xf32, #tpu.memory_space<vmem>> -> memref<1x200x256xf32, #tpu.memory_space<vmem>>
    %dma_wait3A_694 = tpu.memref_squeeze %dma_wait3A_693 : memref<1x200x256xf32, #tpu.memory_space<vmem>> -> memref<200x256xf32, #tpu.memory_space<vmem>>
    %dma_wait3A_695 = arith.constant 0 : i32
    %dma_wait3A_696 = tpu.memref_slice %arg3[%mul3A_672, %dma_wait3A_695] : memref<100000x256xf32, #tpu.memory_space<hbm>> -> memref<200x256xf32, #tpu.memory_space<hbm>>
    %dma_wait3A_697 = tpu.memref_slice %arg6[%dma_wait3A_690] : memref<2x!tpu.dma_semaphore, #tpu.memory_space<semaphore_mem>> -> memref<1x!tpu.dma_semaphore, #tpu.memory_space<semaphore_mem>>
    %dma_wait3A_698 = tpu.memref_squeeze %dma_wait3A_697 : memref<1x!tpu.dma_semaphore, #tpu.memory_space<semaphore_mem>> -> memref<!tpu.dma_semaphore, #tpu.memory_space<semaphore_mem>>
    %dma_wait3A_699 = arith.constant 0 : i32
    %dma_wait3A_700 = tpu.memref_slice %arg3[%mul3A_672, %dma_wait3A_699] : memref<100000x256xf32, #tpu.memory_space<hbm>> -> memref<200x256xf32, #tpu.memory_space<hbm>>
    %dma_wait3A_701 = arith.constant 0 : i32
    %dma_wait3A_702 = arith.constant 0 : i32
    %dma_wait3A_703 = tpu.memref_slice %arg4[%dma_wait3A_689, %dma_wait3A_701, %dma_wait3A_702] : memref<2x200x256xf32, #tpu.memory_space<vmem>> -> memref<1x200x256xf32, #tpu.memory_space<vmem>>
    %dma_wait3A_704 = tpu.memref_squeeze %dma_wait3A_703 : memref<1x200x256xf32, #tpu.memory_space<vmem>> -> memref<200x256xf32, #tpu.memory_space<vmem>>
    tpu.wait_dma2 semaphore(%dma_wait3A_698 : memref<!tpu.dma_semaphore, #tpu.memory_space<semaphore_mem>>) src(%dma_wait3A_704 : memref<200x256xf32, #tpu.memory_space<vmem>>) dst(%dma_wait3A_700 : memref<200x256xf32, #tpu.memory_space<hbm>>)
    %add3A_705 = arith.constant 320 : i32
    %add3A_706 = arith.addi %add3A, %add3A_705 : i32
    %min3A_707 = arith.constant 499 : i32
    %min3A_708 = arith.minsi %add3A_706, %min3A_707 : i32
    %mul3A_709 = arith.constant 200 : i32
    %mul3A_710 = arith.muli %min3A_708, %mul3A_709 : i32
    %dma_start3A_711 = arith.constant 0 : i32
    %dma_start3A_712 = arith.constant 0 : i32
    %dma_start3A_713 = arith.constant 0 : i32
    %dma_start3A_714 = arith.constant 0 : i32
    %dma_start3A_715 = tpu.memref_slice %arg4[%dma_start3A_711, %dma_start3A_713, %dma_start3A_714] : memref<2x200x256xf32, #tpu.memory_space<vmem>> -> memref<1x200x256xf32, #tpu.memory_space<vmem>>
    %dma_start3A_716 = tpu.memref_squeeze %dma_start3A_715 : memref<1x200x256xf32, #tpu.memory_space<vmem>> -> memref<200x256xf32, #tpu.memory_space<vmem>>
    %dma_start3A_717 = arith.constant 0 : i32
    %dma_start3A_718 = tpu.memref_slice %arg2[%mul3A_710, %dma_start3A_717] : memref<100000x256xf32, #tpu.memory_space<hbm>> -> memref<200x256xf32, #tpu.memory_space<hbm>>
    %dma_start3A_719 = tpu.memref_slice %arg5[%dma_start3A_712] : memref<2x!tpu.dma_semaphore, #tpu.memory_space<semaphore_mem>> -> memref<1x!tpu.dma_semaphore, #tpu.memory_space<semaphore_mem>>
    %dma_start3A_720 = tpu.memref_squeeze %dma_start3A_719 : memref<1x!tpu.dma_semaphore, #tpu.memory_space<semaphore_mem>> -> memref<!tpu.dma_semaphore, #tpu.memory_space<semaphore_mem>>
    %dma_start3A_721 = arith.constant 0 : i32
    %dma_start3A_722 = arith.constant 0 : i32
    %dma_start3A_723 = tpu.memref_slice %arg4[%dma_start3A_711, %dma_start3A_721, %dma_start3A_722] : memref<2x200x256xf32, #tpu.memory_space<vmem>> -> memref<1x200x256xf32, #tpu.memory_space<vmem>>
    %dma_start3A_724 = tpu.memref_squeeze %dma_start3A_723 : memref<1x200x256xf32, #tpu.memory_space<vmem>> -> memref<200x256xf32, #tpu.memory_space<vmem>>
    %dma_start3A_725 = arith.constant 0 : i32
    %dma_start3A_726 = tpu.memref_slice %arg2[%mul3A_710, %dma_start3A_725] : memref<100000x256xf32, #tpu.memory_space<hbm>> -> memref<200x256xf32, #tpu.memory_space<hbm>>
    tpu.enqueue_dma source(%dma_start3A_726 : memref<200x256xf32, #tpu.memory_space<hbm>>) target(%dma_start3A_724 : memref<200x256xf32, #tpu.memory_space<vmem>>) target_semaphore(%dma_start3A_720 : memref<!tpu.dma_semaphore, #tpu.memory_space<semaphore_mem>>)
    %dma_wait3A_727 = arith.constant 1 : i32
    %dma_wait3A_728 = arith.constant 1 : i32
    %dma_wait3A_729 = arith.constant 0 : i32
    %dma_wait3A_730 = arith.constant 0 : i32
    %dma_wait3A_731 = tpu.memref_slice %arg4[%dma_wait3A_727, %dma_wait3A_729, %dma_wait3A_730] : memref<2x200x256xf32, #tpu.memory_space<vmem>> -> memref<1x200x256xf32, #tpu.memory_space<vmem>>
    %dma_wait3A_732 = tpu.memref_squeeze %dma_wait3A_731 : memref<1x200x256xf32, #tpu.memory_space<vmem>> -> memref<200x256xf32, #tpu.memory_space<vmem>>
    %dma_wait3A_733 = arith.constant 0 : i32
    %dma_wait3A_734 = tpu.memref_slice %arg2[%mul3A_634, %dma_wait3A_733] : memref<100000x256xf32, #tpu.memory_space<hbm>> -> memref<200x256xf32, #tpu.memory_space<hbm>>
    %dma_wait3A_735 = tpu.memref_slice %arg5[%dma_wait3A_728] : memref<2x!tpu.dma_semaphore, #tpu.memory_space<semaphore_mem>> -> memref<1x!tpu.dma_semaphore, #tpu.memory_space<semaphore_mem>>
    %dma_wait3A_736 = tpu.memref_squeeze %dma_wait3A_735 : memref<1x!tpu.dma_semaphore, #tpu.memory_space<semaphore_mem>> -> memref<!tpu.dma_semaphore, #tpu.memory_space<semaphore_mem>>
    %dma_wait3A_737 = arith.constant 0 : i32
    %dma_wait3A_738 = arith.constant 0 : i32
    %dma_wait3A_739 = tpu.memref_slice %arg4[%dma_wait3A_727, %dma_wait3A_737, %dma_wait3A_738] : memref<2x200x256xf32, #tpu.memory_space<vmem>> -> memref<1x200x256xf32, #tpu.memory_space<vmem>>
    %dma_wait3A_740 = tpu.memref_squeeze %dma_wait3A_739 : memref<1x200x256xf32, #tpu.memory_space<vmem>> -> memref<200x256xf32, #tpu.memory_space<vmem>>
    %dma_wait3A_741 = arith.constant 0 : i32
    %dma_wait3A_742 = tpu.memref_slice %arg2[%mul3A_634, %dma_wait3A_741] : memref<100000x256xf32, #tpu.memory_space<hbm>> -> memref<200x256xf32, #tpu.memory_space<hbm>>
    tpu.wait_dma2 semaphore(%dma_wait3A_736 : memref<!tpu.dma_semaphore, #tpu.memory_space<semaphore_mem>>) src(%dma_wait3A_742 : memref<200x256xf32, #tpu.memory_space<hbm>>) dst(%dma_wait3A_740 : memref<200x256xf32, #tpu.memory_space<vmem>>)
    %add3A_743 = arith.constant 288 : i32
    %add3A_744 = arith.addi %add3A, %add3A_743 : i32
    %min3A_745 = arith.constant 499 : i32
    %min3A_746 = arith.minsi %add3A_744, %min3A_745 : i32
    %mul3A_747 = arith.constant 200 : i32
    %mul3A_748 = arith.muli %min3A_746, %mul3A_747 : i32
    %dma_start3A_749 = arith.constant 1 : i32
    %dma_start3A_750 = arith.constant 1 : i32
    %dma_start3A_751 = arith.constant 0 : i32
    %dma_start3A_752 = arith.constant 0 : i32
    %dma_start3A_753 = tpu.memref_slice %arg4[%dma_start3A_749, %dma_start3A_751, %dma_start3A_752] : memref<2x200x256xf32, #tpu.memory_space<vmem>> -> memref<1x200x256xf32, #tpu.memory_space<vmem>>
    %dma_start3A_754 = tpu.memref_squeeze %dma_start3A_753 : memref<1x200x256xf32, #tpu.memory_space<vmem>> -> memref<200x256xf32, #tpu.memory_space<vmem>>
    %dma_start3A_755 = arith.constant 0 : i32
    %dma_start3A_756 = tpu.memref_slice %arg3[%mul3A_748, %dma_start3A_755] : memref<100000x256xf32, #tpu.memory_space<hbm>> -> memref<200x256xf32, #tpu.memory_space<hbm>>
    %dma_start3A_757 = tpu.memref_slice %arg6[%dma_start3A_750] : memref<2x!tpu.dma_semaphore, #tpu.memory_space<semaphore_mem>> -> memref<1x!tpu.dma_semaphore, #tpu.memory_space<semaphore_mem>>
    %dma_start3A_758 = tpu.memref_squeeze %dma_start3A_757 : memref<1x!tpu.dma_semaphore, #tpu.memory_space<semaphore_mem>> -> memref<!tpu.dma_semaphore, #tpu.memory_space<semaphore_mem>>
    %dma_start3A_759 = arith.constant 0 : i32
    %dma_start3A_760 = tpu.memref_slice %arg3[%mul3A_748, %dma_start3A_759] : memref<100000x256xf32, #tpu.memory_space<hbm>> -> memref<200x256xf32, #tpu.memory_space<hbm>>
    %dma_start3A_761 = arith.constant 0 : i32
    %dma_start3A_762 = arith.constant 0 : i32
    %dma_start3A_763 = tpu.memref_slice %arg4[%dma_start3A_749, %dma_start3A_761, %dma_start3A_762] : memref<2x200x256xf32, #tpu.memory_space<vmem>> -> memref<1x200x256xf32, #tpu.memory_space<vmem>>
    %dma_start3A_764 = tpu.memref_squeeze %dma_start3A_763 : memref<1x200x256xf32, #tpu.memory_space<vmem>> -> memref<200x256xf32, #tpu.memory_space<vmem>>
    tpu.enqueue_dma source(%dma_start3A_764 : memref<200x256xf32, #tpu.memory_space<vmem>>) target(%dma_start3A_760 : memref<200x256xf32, #tpu.memory_space<hbm>>) target_semaphore(%dma_start3A_758 : memref<!tpu.dma_semaphore, #tpu.memory_space<semaphore_mem>>)
    %dma_wait3A_765 = arith.constant 1 : i32
    %dma_wait3A_766 = arith.constant 1 : i32
    %dma_wait3A_767 = arith.constant 0 : i32
    %dma_wait3A_768 = arith.constant 0 : i32
    %dma_wait3A_769 = tpu.memref_slice %arg4[%dma_wait3A_765, %dma_wait3A_767, %dma_wait3A_768] : memref<2x200x256xf32, #tpu.memory_space<vmem>> -> memref<1x200x256xf32, #tpu.memory_space<vmem>>
    %dma_wait3A_770 = tpu.memref_squeeze %dma_wait3A_769 : memref<1x200x256xf32, #tpu.memory_space<vmem>> -> memref<200x256xf32, #tpu.memory_space<vmem>>
    %dma_wait3A_771 = arith.constant 0 : i32
    %dma_wait3A_772 = tpu.memref_slice %arg3[%mul3A_748, %dma_wait3A_771] : memref<100000x256xf32, #tpu.memory_space<hbm>> -> memref<200x256xf32, #tpu.memory_space<hbm>>
    %dma_wait3A_773 = tpu.memref_slice %arg6[%dma_wait3A_766] : memref<2x!tpu.dma_semaphore, #tpu.memory_space<semaphore_mem>> -> memref<1x!tpu.dma_semaphore, #tpu.memory_space<semaphore_mem>>
    %dma_wait3A_774 = tpu.memref_squeeze %dma_wait3A_773 : memref<1x!tpu.dma_semaphore, #tpu.memory_space<semaphore_mem>> -> memref<!tpu.dma_semaphore, #tpu.memory_space<semaphore_mem>>
    %dma_wait3A_775 = arith.constant 0 : i32
    %dma_wait3A_776 = tpu.memref_slice %arg3[%mul3A_748, %dma_wait3A_775] : memref<100000x256xf32, #tpu.memory_space<hbm>> -> memref<200x256xf32, #tpu.memory_space<hbm>>
    %dma_wait3A_777 = arith.constant 0 : i32
    %dma_wait3A_778 = arith.constant 0 : i32
    %dma_wait3A_779 = tpu.memref_slice %arg4[%dma_wait3A_765, %dma_wait3A_777, %dma_wait3A_778] : memref<2x200x256xf32, #tpu.memory_space<vmem>> -> memref<1x200x256xf32, #tpu.memory_space<vmem>>
    %dma_wait3A_780 = tpu.memref_squeeze %dma_wait3A_779 : memref<1x200x256xf32, #tpu.memory_space<vmem>> -> memref<200x256xf32, #tpu.memory_space<vmem>>
    tpu.wait_dma2 semaphore(%dma_wait3A_774 : memref<!tpu.dma_semaphore, #tpu.memory_space<semaphore_mem>>) src(%dma_wait3A_780 : memref<200x256xf32, #tpu.memory_space<vmem>>) dst(%dma_wait3A_776 : memref<200x256xf32, #tpu.memory_space<hbm>>)
    %add3A_781 = arith.constant 352 : i32
    %add3A_782 = arith.addi %add3A, %add3A_781 : i32
    %min3A_783 = arith.constant 499 : i32
    %min3A_784 = arith.minsi %add3A_782, %min3A_783 : i32
    %mul3A_785 = arith.constant 200 : i32
    %mul3A_786 = arith.muli %min3A_784, %mul3A_785 : i32
    %dma_start3A_787 = arith.constant 1 : i32
    %dma_start3A_788 = arith.constant 1 : i32
    %dma_start3A_789 = arith.constant 0 : i32
    %dma_start3A_790 = arith.constant 0 : i32
    %dma_start3A_791 = tpu.memref_slice %arg4[%dma_start3A_787, %dma_start3A_789, %dma_start3A_790] : memref<2x200x256xf32, #tpu.memory_space<vmem>> -> memref<1x200x256xf32, #tpu.memory_space<vmem>>
    %dma_start3A_792 = tpu.memref_squeeze %dma_start3A_791 : memref<1x200x256xf32, #tpu.memory_space<vmem>> -> memref<200x256xf32, #tpu.memory_space<vmem>>
    %dma_start3A_793 = arith.constant 0 : i32
    %dma_start3A_794 = tpu.memref_slice %arg2[%mul3A_786, %dma_start3A_793] : memref<100000x256xf32, #tpu.memory_space<hbm>> -> memref<200x256xf32, #tpu.memory_space<hbm>>
    %dma_start3A_795 = tpu.memref_slice %arg5[%dma_start3A_788] : memref<2x!tpu.dma_semaphore, #tpu.memory_space<semaphore_mem>> -> memref<1x!tpu.dma_semaphore, #tpu.memory_space<semaphore_mem>>
    %dma_start3A_796 = tpu.memref_squeeze %dma_start3A_795 : memref<1x!tpu.dma_semaphore, #tpu.memory_space<semaphore_mem>> -> memref<!tpu.dma_semaphore, #tpu.memory_space<semaphore_mem>>
    %dma_start3A_797 = arith.constant 0 : i32
    %dma_start3A_798 = arith.constant 0 : i32
    %dma_start3A_799 = tpu.memref_slice %arg4[%dma_start3A_787, %dma_start3A_797, %dma_start3A_798] : memref<2x200x256xf32, #tpu.memory_space<vmem>> -> memref<1x200x256xf32, #tpu.memory_space<vmem>>
    %dma_start3A_800 = tpu.memref_squeeze %dma_start3A_799 : memref<1x200x256xf32, #tpu.memory_space<vmem>> -> memref<200x256xf32, #tpu.memory_space<vmem>>
    %dma_start3A_801 = arith.constant 0 : i32
    %dma_start3A_802 = tpu.memref_slice %arg2[%mul3A_786, %dma_start3A_801] : memref<100000x256xf32, #tpu.memory_space<hbm>> -> memref<200x256xf32, #tpu.memory_space<hbm>>
    tpu.enqueue_dma source(%dma_start3A_802 : memref<200x256xf32, #tpu.memory_space<hbm>>) target(%dma_start3A_800 : memref<200x256xf32, #tpu.memory_space<vmem>>) target_semaphore(%dma_start3A_796 : memref<!tpu.dma_semaphore, #tpu.memory_space<semaphore_mem>>)
    %dma_wait3A_803 = arith.constant 0 : i32
    %dma_wait3A_804 = arith.constant 0 : i32
    %dma_wait3A_805 = arith.constant 0 : i32
    %dma_wait3A_806 = arith.constant 0 : i32
    %dma_wait3A_807 = tpu.memref_slice %arg4[%dma_wait3A_803, %dma_wait3A_805, %dma_wait3A_806] : memref<2x200x256xf32, #tpu.memory_space<vmem>> -> memref<1x200x256xf32, #tpu.memory_space<vmem>>
    %dma_wait3A_808 = tpu.memref_squeeze %dma_wait3A_807 : memref<1x200x256xf32, #tpu.memory_space<vmem>> -> memref<200x256xf32, #tpu.memory_space<vmem>>
    %dma_wait3A_809 = arith.constant 0 : i32
    %dma_wait3A_810 = tpu.memref_slice %arg2[%mul3A_710, %dma_wait3A_809] : memref<100000x256xf32, #tpu.memory_space<hbm>> -> memref<200x256xf32, #tpu.memory_space<hbm>>
    %dma_wait3A_811 = tpu.memref_slice %arg5[%dma_wait3A_804] : memref<2x!tpu.dma_semaphore, #tpu.memory_space<semaphore_mem>> -> memref<1x!tpu.dma_semaphore, #tpu.memory_space<semaphore_mem>>
    %dma_wait3A_812 = tpu.memref_squeeze %dma_wait3A_811 : memref<1x!tpu.dma_semaphore, #tpu.memory_space<semaphore_mem>> -> memref<!tpu.dma_semaphore, #tpu.memory_space<semaphore_mem>>
    %dma_wait3A_813 = arith.constant 0 : i32
    %dma_wait3A_814 = arith.constant 0 : i32
    %dma_wait3A_815 = tpu.memref_slice %arg4[%dma_wait3A_803, %dma_wait3A_813, %dma_wait3A_814] : memref<2x200x256xf32, #tpu.memory_space<vmem>> -> memref<1x200x256xf32, #tpu.memory_space<vmem>>
    %dma_wait3A_816 = tpu.memref_squeeze %dma_wait3A_815 : memref<1x200x256xf32, #tpu.memory_space<vmem>> -> memref<200x256xf32, #tpu.memory_space<vmem>>
    %dma_wait3A_817 = arith.constant 0 : i32
    %dma_wait3A_818 = tpu.memref_slice %arg2[%mul3A_710, %dma_wait3A_817] : memref<100000x256xf32, #tpu.memory_space<hbm>> -> memref<200x256xf32, #tpu.memory_space<hbm>>
    tpu.wait_dma2 semaphore(%dma_wait3A_812 : memref<!tpu.dma_semaphore, #tpu.memory_space<semaphore_mem>>) src(%dma_wait3A_818 : memref<200x256xf32, #tpu.memory_space<hbm>>) dst(%dma_wait3A_816 : memref<200x256xf32, #tpu.memory_space<vmem>>)
    %add3A_819 = arith.constant 320 : i32
    %add3A_820 = arith.addi %add3A, %add3A_819 : i32
    %min3A_821 = arith.constant 499 : i32
    %min3A_822 = arith.minsi %add3A_820, %min3A_821 : i32
    %mul3A_823 = arith.constant 200 : i32
    %mul3A_824 = arith.muli %min3A_822, %mul3A_823 : i32
    %dma_start3A_825 = arith.constant 0 : i32
    %dma_start3A_826 = arith.constant 0 : i32
    %dma_start3A_827 = arith.constant 0 : i32
    %dma_start3A_828 = arith.constant 0 : i32
    %dma_start3A_829 = tpu.memref_slice %arg4[%dma_start3A_825, %dma_start3A_827, %dma_start3A_828] : memref<2x200x256xf32, #tpu.memory_space<vmem>> -> memref<1x200x256xf32, #tpu.memory_space<vmem>>
    %dma_start3A_830 = tpu.memref_squeeze %dma_start3A_829 : memref<1x200x256xf32, #tpu.memory_space<vmem>> -> memref<200x256xf32, #tpu.memory_space<vmem>>
    %dma_start3A_831 = arith.constant 0 : i32
    %dma_start3A_832 = tpu.memref_slice %arg3[%mul3A_824, %dma_start3A_831] : memref<100000x256xf32, #tpu.memory_space<hbm>> -> memref<200x256xf32, #tpu.memory_space<hbm>>
    %dma_start3A_833 = tpu.memref_slice %arg6[%dma_start3A_826] : memref<2x!tpu.dma_semaphore, #tpu.memory_space<semaphore_mem>> -> memref<1x!tpu.dma_semaphore, #tpu.memory_space<semaphore_mem>>
    %dma_start3A_834 = tpu.memref_squeeze %dma_start3A_833 : memref<1x!tpu.dma_semaphore, #tpu.memory_space<semaphore_mem>> -> memref<!tpu.dma_semaphore, #tpu.memory_space<semaphore_mem>>
    %dma_start3A_835 = arith.constant 0 : i32
    %dma_start3A_836 = tpu.memref_slice %arg3[%mul3A_824, %dma_start3A_835] : memref<100000x256xf32, #tpu.memory_space<hbm>> -> memref<200x256xf32, #tpu.memory_space<hbm>>
    %dma_start3A_837 = arith.constant 0 : i32
    %dma_start3A_838 = arith.constant 0 : i32
    %dma_start3A_839 = tpu.memref_slice %arg4[%dma_start3A_825, %dma_start3A_837, %dma_start3A_838] : memref<2x200x256xf32, #tpu.memory_space<vmem>> -> memref<1x200x256xf32, #tpu.memory_space<vmem>>
    %dma_start3A_840 = tpu.memref_squeeze %dma_start3A_839 : memref<1x200x256xf32, #tpu.memory_space<vmem>> -> memref<200x256xf32, #tpu.memory_space<vmem>>
    tpu.enqueue_dma source(%dma_start3A_840 : memref<200x256xf32, #tpu.memory_space<vmem>>) target(%dma_start3A_836 : memref<200x256xf32, #tpu.memory_space<hbm>>) target_semaphore(%dma_start3A_834 : memref<!tpu.dma_semaphore, #tpu.memory_space<semaphore_mem>>)
    %dma_wait3A_841 = arith.constant 0 : i32
    %dma_wait3A_842 = arith.constant 0 : i32
    %dma_wait3A_843 = arith.constant 0 : i32
    %dma_wait3A_844 = arith.constant 0 : i32
    %dma_wait3A_845 = tpu.memref_slice %arg4[%dma_wait3A_841, %dma_wait3A_843, %dma_wait3A_844] : memref<2x200x256xf32, #tpu.memory_space<vmem>> -> memref<1x200x256xf32, #tpu.memory_space<vmem>>
    %dma_wait3A_846 = tpu.memref_squeeze %dma_wait3A_845 : memref<1x200x256xf32, #tpu.memory_space<vmem>> -> memref<200x256xf32, #tpu.memory_space<vmem>>
    %dma_wait3A_847 = arith.constant 0 : i32
    %dma_wait3A_848 = tpu.memref_slice %arg3[%mul3A_824, %dma_wait3A_847] : memref<100000x256xf32, #tpu.memory_space<hbm>> -> memref<200x256xf32, #tpu.memory_space<hbm>>
    %dma_wait3A_849 = tpu.memref_slice %arg6[%dma_wait3A_842] : memref<2x!tpu.dma_semaphore, #tpu.memory_space<semaphore_mem>> -> memref<1x!tpu.dma_semaphore, #tpu.memory_space<semaphore_mem>>
    %dma_wait3A_850 = tpu.memref_squeeze %dma_wait3A_849 : memref<1x!tpu.dma_semaphore, #tpu.memory_space<semaphore_mem>> -> memref<!tpu.dma_semaphore, #tpu.memory_space<semaphore_mem>>
    %dma_wait3A_851 = arith.constant 0 : i32
    %dma_wait3A_852 = tpu.memref_slice %arg3[%mul3A_824, %dma_wait3A_851] : memref<100000x256xf32, #tpu.memory_space<hbm>> -> memref<200x256xf32, #tpu.memory_space<hbm>>
    %dma_wait3A_853 = arith.constant 0 : i32
    %dma_wait3A_854 = arith.constant 0 : i32
    %dma_wait3A_855 = tpu.memref_slice %arg4[%dma_wait3A_841, %dma_wait3A_853, %dma_wait3A_854] : memref<2x200x256xf32, #tpu.memory_space<vmem>> -> memref<1x200x256xf32, #tpu.memory_space<vmem>>
    %dma_wait3A_856 = tpu.memref_squeeze %dma_wait3A_855 : memref<1x200x256xf32, #tpu.memory_space<vmem>> -> memref<200x256xf32, #tpu.memory_space<vmem>>
    tpu.wait_dma2 semaphore(%dma_wait3A_850 : memref<!tpu.dma_semaphore, #tpu.memory_space<semaphore_mem>>) src(%dma_wait3A_856 : memref<200x256xf32, #tpu.memory_space<vmem>>) dst(%dma_wait3A_852 : memref<200x256xf32, #tpu.memory_space<hbm>>)
    %add3A_857 = arith.constant 384 : i32
    %add3A_858 = arith.addi %add3A, %add3A_857 : i32
    %min3A_859 = arith.constant 499 : i32
    %min3A_860 = arith.minsi %add3A_858, %min3A_859 : i32
    %mul3A_861 = arith.constant 200 : i32
    %mul3A_862 = arith.muli %min3A_860, %mul3A_861 : i32
    %dma_start3A_863 = arith.constant 0 : i32
    %dma_start3A_864 = arith.constant 0 : i32
    %dma_start3A_865 = arith.constant 0 : i32
    %dma_start3A_866 = arith.constant 0 : i32
    %dma_start3A_867 = tpu.memref_slice %arg4[%dma_start3A_863, %dma_start3A_865, %dma_start3A_866] : memref<2x200x256xf32, #tpu.memory_space<vmem>> -> memref<1x200x256xf32, #tpu.memory_space<vmem>>
    %dma_start3A_868 = tpu.memref_squeeze %dma_start3A_867 : memref<1x200x256xf32, #tpu.memory_space<vmem>> -> memref<200x256xf32, #tpu.memory_space<vmem>>
    %dma_start3A_869 = arith.constant 0 : i32
    %dma_start3A_870 = tpu.memref_slice %arg2[%mul3A_862, %dma_start3A_869] : memref<100000x256xf32, #tpu.memory_space<hbm>> -> memref<200x256xf32, #tpu.memory_space<hbm>>
    %dma_start3A_871 = tpu.memref_slice %arg5[%dma_start3A_864] : memref<2x!tpu.dma_semaphore, #tpu.memory_space<semaphore_mem>> -> memref<1x!tpu.dma_semaphore, #tpu.memory_space<semaphore_mem>>
    %dma_start3A_872 = tpu.memref_squeeze %dma_start3A_871 : memref<1x!tpu.dma_semaphore, #tpu.memory_space<semaphore_mem>> -> memref<!tpu.dma_semaphore, #tpu.memory_space<semaphore_mem>>
    %dma_start3A_873 = arith.constant 0 : i32
    %dma_start3A_874 = arith.constant 0 : i32
    %dma_start3A_875 = tpu.memref_slice %arg4[%dma_start3A_863, %dma_start3A_873, %dma_start3A_874] : memref<2x200x256xf32, #tpu.memory_space<vmem>> -> memref<1x200x256xf32, #tpu.memory_space<vmem>>
    %dma_start3A_876 = tpu.memref_squeeze %dma_start3A_875 : memref<1x200x256xf32, #tpu.memory_space<vmem>> -> memref<200x256xf32, #tpu.memory_space<vmem>>
    %dma_start3A_877 = arith.constant 0 : i32
    %dma_start3A_878 = tpu.memref_slice %arg2[%mul3A_862, %dma_start3A_877] : memref<100000x256xf32, #tpu.memory_space<hbm>> -> memref<200x256xf32, #tpu.memory_space<hbm>>
    tpu.enqueue_dma source(%dma_start3A_878 : memref<200x256xf32, #tpu.memory_space<hbm>>) target(%dma_start3A_876 : memref<200x256xf32, #tpu.memory_space<vmem>>) target_semaphore(%dma_start3A_872 : memref<!tpu.dma_semaphore, #tpu.memory_space<semaphore_mem>>)
    %dma_wait3A_879 = arith.constant 1 : i32
    %dma_wait3A_880 = arith.constant 1 : i32
    %dma_wait3A_881 = arith.constant 0 : i32
    %dma_wait3A_882 = arith.constant 0 : i32
    %dma_wait3A_883 = tpu.memref_slice %arg4[%dma_wait3A_879, %dma_wait3A_881, %dma_wait3A_882] : memref<2x200x256xf32, #tpu.memory_space<vmem>> -> memref<1x200x256xf32, #tpu.memory_space<vmem>>
    %dma_wait3A_884 = tpu.memref_squeeze %dma_wait3A_883 : memref<1x200x256xf32, #tpu.memory_space<vmem>> -> memref<200x256xf32, #tpu.memory_space<vmem>>
    %dma_wait3A_885 = arith.constant 0 : i32
    %dma_wait3A_886 = tpu.memref_slice %arg2[%mul3A_786, %dma_wait3A_885] : memref<100000x256xf32, #tpu.memory_space<hbm>> -> memref<200x256xf32, #tpu.memory_space<hbm>>
    %dma_wait3A_887 = tpu.memref_slice %arg5[%dma_wait3A_880] : memref<2x!tpu.dma_semaphore, #tpu.memory_space<semaphore_mem>> -> memref<1x!tpu.dma_semaphore, #tpu.memory_space<semaphore_mem>>
    %dma_wait3A_888 = tpu.memref_squeeze %dma_wait3A_887 : memref<1x!tpu.dma_semaphore, #tpu.memory_space<semaphore_mem>> -> memref<!tpu.dma_semaphore, #tpu.memory_space<semaphore_mem>>
    %dma_wait3A_889 = arith.constant 0 : i32
    %dma_wait3A_890 = arith.constant 0 : i32
    %dma_wait3A_891 = tpu.memref_slice %arg4[%dma_wait3A_879, %dma_wait3A_889, %dma_wait3A_890] : memref<2x200x256xf32, #tpu.memory_space<vmem>> -> memref<1x200x256xf32, #tpu.memory_space<vmem>>
    %dma_wait3A_892 = tpu.memref_squeeze %dma_wait3A_891 : memref<1x200x256xf32, #tpu.memory_space<vmem>> -> memref<200x256xf32, #tpu.memory_space<vmem>>
    %dma_wait3A_893 = arith.constant 0 : i32
    %dma_wait3A_894 = tpu.memref_slice %arg2[%mul3A_786, %dma_wait3A_893] : memref<100000x256xf32, #tpu.memory_space<hbm>> -> memref<200x256xf32, #tpu.memory_space<hbm>>
    tpu.wait_dma2 semaphore(%dma_wait3A_888 : memref<!tpu.dma_semaphore, #tpu.memory_space<semaphore_mem>>) src(%dma_wait3A_894 : memref<200x256xf32, #tpu.memory_space<hbm>>) dst(%dma_wait3A_892 : memref<200x256xf32, #tpu.memory_space<vmem>>)
    %add3A_895 = arith.constant 352 : i32
    %add3A_896 = arith.addi %add3A, %add3A_895 : i32
    %min3A_897 = arith.constant 499 : i32
    %min3A_898 = arith.minsi %add3A_896, %min3A_897 : i32
    %mul3A_899 = arith.constant 200 : i32
    %mul3A_900 = arith.muli %min3A_898, %mul3A_899 : i32
    %dma_start3A_901 = arith.constant 1 : i32
    %dma_start3A_902 = arith.constant 1 : i32
    %dma_start3A_903 = arith.constant 0 : i32
    %dma_start3A_904 = arith.constant 0 : i32
    %dma_start3A_905 = tpu.memref_slice %arg4[%dma_start3A_901, %dma_start3A_903, %dma_start3A_904] : memref<2x200x256xf32, #tpu.memory_space<vmem>> -> memref<1x200x256xf32, #tpu.memory_space<vmem>>
    %dma_start3A_906 = tpu.memref_squeeze %dma_start3A_905 : memref<1x200x256xf32, #tpu.memory_space<vmem>> -> memref<200x256xf32, #tpu.memory_space<vmem>>
    %dma_start3A_907 = arith.constant 0 : i32
    %dma_start3A_908 = tpu.memref_slice %arg3[%mul3A_900, %dma_start3A_907] : memref<100000x256xf32, #tpu.memory_space<hbm>> -> memref<200x256xf32, #tpu.memory_space<hbm>>
    %dma_start3A_909 = tpu.memref_slice %arg6[%dma_start3A_902] : memref<2x!tpu.dma_semaphore, #tpu.memory_space<semaphore_mem>> -> memref<1x!tpu.dma_semaphore, #tpu.memory_space<semaphore_mem>>
    %dma_start3A_910 = tpu.memref_squeeze %dma_start3A_909 : memref<1x!tpu.dma_semaphore, #tpu.memory_space<semaphore_mem>> -> memref<!tpu.dma_semaphore, #tpu.memory_space<semaphore_mem>>
    %dma_start3A_911 = arith.constant 0 : i32
    %dma_start3A_912 = tpu.memref_slice %arg3[%mul3A_900, %dma_start3A_911] : memref<100000x256xf32, #tpu.memory_space<hbm>> -> memref<200x256xf32, #tpu.memory_space<hbm>>
    %dma_start3A_913 = arith.constant 0 : i32
    %dma_start3A_914 = arith.constant 0 : i32
    %dma_start3A_915 = tpu.memref_slice %arg4[%dma_start3A_901, %dma_start3A_913, %dma_start3A_914] : memref<2x200x256xf32, #tpu.memory_space<vmem>> -> memref<1x200x256xf32, #tpu.memory_space<vmem>>
    %dma_start3A_916 = tpu.memref_squeeze %dma_start3A_915 : memref<1x200x256xf32, #tpu.memory_space<vmem>> -> memref<200x256xf32, #tpu.memory_space<vmem>>
    tpu.enqueue_dma source(%dma_start3A_916 : memref<200x256xf32, #tpu.memory_space<vmem>>) target(%dma_start3A_912 : memref<200x256xf32, #tpu.memory_space<hbm>>) target_semaphore(%dma_start3A_910 : memref<!tpu.dma_semaphore, #tpu.memory_space<semaphore_mem>>)
    %dma_wait3A_917 = arith.constant 1 : i32
    %dma_wait3A_918 = arith.constant 1 : i32
    %dma_wait3A_919 = arith.constant 0 : i32
    %dma_wait3A_920 = arith.constant 0 : i32
    %dma_wait3A_921 = tpu.memref_slice %arg4[%dma_wait3A_917, %dma_wait3A_919, %dma_wait3A_920] : memref<2x200x256xf32, #tpu.memory_space<vmem>> -> memref<1x200x256xf32, #tpu.memory_space<vmem>>
    %dma_wait3A_922 = tpu.memref_squeeze %dma_wait3A_921 : memref<1x200x256xf32, #tpu.memory_space<vmem>> -> memref<200x256xf32, #tpu.memory_space<vmem>>
    %dma_wait3A_923 = arith.constant 0 : i32
    %dma_wait3A_924 = tpu.memref_slice %arg3[%mul3A_900, %dma_wait3A_923] : memref<100000x256xf32, #tpu.memory_space<hbm>> -> memref<200x256xf32, #tpu.memory_space<hbm>>
    %dma_wait3A_925 = tpu.memref_slice %arg6[%dma_wait3A_918] : memref<2x!tpu.dma_semaphore, #tpu.memory_space<semaphore_mem>> -> memref<1x!tpu.dma_semaphore, #tpu.memory_space<semaphore_mem>>
    %dma_wait3A_926 = tpu.memref_squeeze %dma_wait3A_925 : memref<1x!tpu.dma_semaphore, #tpu.memory_space<semaphore_mem>> -> memref<!tpu.dma_semaphore, #tpu.memory_space<semaphore_mem>>
    %dma_wait3A_927 = arith.constant 0 : i32
    %dma_wait3A_928 = tpu.memref_slice %arg3[%mul3A_900, %dma_wait3A_927] : memref<100000x256xf32, #tpu.memory_space<hbm>> -> memref<200x256xf32, #tpu.memory_space<hbm>>
    %dma_wait3A_929 = arith.constant 0 : i32
    %dma_wait3A_930 = arith.constant 0 : i32
    %dma_wait3A_931 = tpu.memref_slice %arg4[%dma_wait3A_917, %dma_wait3A_929, %dma_wait3A_930] : memref<2x200x256xf32, #tpu.memory_space<vmem>> -> memref<1x200x256xf32, #tpu.memory_space<vmem>>
    %dma_wait3A_932 = tpu.memref_squeeze %dma_wait3A_931 : memref<1x200x256xf32, #tpu.memory_space<vmem>> -> memref<200x256xf32, #tpu.memory_space<vmem>>
    tpu.wait_dma2 semaphore(%dma_wait3A_926 : memref<!tpu.dma_semaphore, #tpu.memory_space<semaphore_mem>>) src(%dma_wait3A_932 : memref<200x256xf32, #tpu.memory_space<vmem>>) dst(%dma_wait3A_928 : memref<200x256xf32, #tpu.memory_space<hbm>>)
    %add3A_933 = arith.constant 416 : i32
    %add3A_934 = arith.addi %add3A, %add3A_933 : i32
    %min3A_935 = arith.constant 499 : i32
    %min3A_936 = arith.minsi %add3A_934, %min3A_935 : i32
    %mul3A_937 = arith.constant 200 : i32
    %mul3A_938 = arith.muli %min3A_936, %mul3A_937 : i32
    %dma_start3A_939 = arith.constant 1 : i32
    %dma_start3A_940 = arith.constant 1 : i32
    %dma_start3A_941 = arith.constant 0 : i32
    %dma_start3A_942 = arith.constant 0 : i32
    %dma_start3A_943 = tpu.memref_slice %arg4[%dma_start3A_939, %dma_start3A_941, %dma_start3A_942] : memref<2x200x256xf32, #tpu.memory_space<vmem>> -> memref<1x200x256xf32, #tpu.memory_space<vmem>>
    %dma_start3A_944 = tpu.memref_squeeze %dma_start3A_943 : memref<1x200x256xf32, #tpu.memory_space<vmem>> -> memref<200x256xf32, #tpu.memory_space<vmem>>
    %dma_start3A_945 = arith.constant 0 : i32
    %dma_start3A_946 = tpu.memref_slice %arg2[%mul3A_938, %dma_start3A_945] : memref<100000x256xf32, #tpu.memory_space<hbm>> -> memref<200x256xf32, #tpu.memory_space<hbm>>
    %dma_start3A_947 = tpu.memref_slice %arg5[%dma_start3A_940] : memref<2x!tpu.dma_semaphore, #tpu.memory_space<semaphore_mem>> -> memref<1x!tpu.dma_semaphore, #tpu.memory_space<semaphore_mem>>
    %dma_start3A_948 = tpu.memref_squeeze %dma_start3A_947 : memref<1x!tpu.dma_semaphore, #tpu.memory_space<semaphore_mem>> -> memref<!tpu.dma_semaphore, #tpu.memory_space<semaphore_mem>>
    %dma_start3A_949 = arith.constant 0 : i32
    %dma_start3A_950 = arith.constant 0 : i32
    %dma_start3A_951 = tpu.memref_slice %arg4[%dma_start3A_939, %dma_start3A_949, %dma_start3A_950] : memref<2x200x256xf32, #tpu.memory_space<vmem>> -> memref<1x200x256xf32, #tpu.memory_space<vmem>>
    %dma_start3A_952 = tpu.memref_squeeze %dma_start3A_951 : memref<1x200x256xf32, #tpu.memory_space<vmem>> -> memref<200x256xf32, #tpu.memory_space<vmem>>
    %dma_start3A_953 = arith.constant 0 : i32
    %dma_start3A_954 = tpu.memref_slice %arg2[%mul3A_938, %dma_start3A_953] : memref<100000x256xf32, #tpu.memory_space<hbm>> -> memref<200x256xf32, #tpu.memory_space<hbm>>
    tpu.enqueue_dma source(%dma_start3A_954 : memref<200x256xf32, #tpu.memory_space<hbm>>) target(%dma_start3A_952 : memref<200x256xf32, #tpu.memory_space<vmem>>) target_semaphore(%dma_start3A_948 : memref<!tpu.dma_semaphore, #tpu.memory_space<semaphore_mem>>)
    %dma_wait3A_955 = arith.constant 0 : i32
    %dma_wait3A_956 = arith.constant 0 : i32
    %dma_wait3A_957 = arith.constant 0 : i32
    %dma_wait3A_958 = arith.constant 0 : i32
    %dma_wait3A_959 = tpu.memref_slice %arg4[%dma_wait3A_955, %dma_wait3A_957, %dma_wait3A_958] : memref<2x200x256xf32, #tpu.memory_space<vmem>> -> memref<1x200x256xf32, #tpu.memory_space<vmem>>
    %dma_wait3A_960 = tpu.memref_squeeze %dma_wait3A_959 : memref<1x200x256xf32, #tpu.memory_space<vmem>> -> memref<200x256xf32, #tpu.memory_space<vmem>>
    %dma_wait3A_961 = arith.constant 0 : i32
    %dma_wait3A_962 = tpu.memref_slice %arg2[%mul3A_862, %dma_wait3A_961] : memref<100000x256xf32, #tpu.memory_space<hbm>> -> memref<200x256xf32, #tpu.memory_space<hbm>>
    %dma_wait3A_963 = tpu.memref_slice %arg5[%dma_wait3A_956] : memref<2x!tpu.dma_semaphore, #tpu.memory_space<semaphore_mem>> -> memref<1x!tpu.dma_semaphore, #tpu.memory_space<semaphore_mem>>
    %dma_wait3A_964 = tpu.memref_squeeze %dma_wait3A_963 : memref<1x!tpu.dma_semaphore, #tpu.memory_space<semaphore_mem>> -> memref<!tpu.dma_semaphore, #tpu.memory_space<semaphore_mem>>
    %dma_wait3A_965 = arith.constant 0 : i32
    %dma_wait3A_966 = arith.constant 0 : i32
    %dma_wait3A_967 = tpu.memref_slice %arg4[%dma_wait3A_955, %dma_wait3A_965, %dma_wait3A_966] : memref<2x200x256xf32, #tpu.memory_space<vmem>> -> memref<1x200x256xf32, #tpu.memory_space<vmem>>
    %dma_wait3A_968 = tpu.memref_squeeze %dma_wait3A_967 : memref<1x200x256xf32, #tpu.memory_space<vmem>> -> memref<200x256xf32, #tpu.memory_space<vmem>>
    %dma_wait3A_969 = arith.constant 0 : i32
    %dma_wait3A_970 = tpu.memref_slice %arg2[%mul3A_862, %dma_wait3A_969] : memref<100000x256xf32, #tpu.memory_space<hbm>> -> memref<200x256xf32, #tpu.memory_space<hbm>>
    tpu.wait_dma2 semaphore(%dma_wait3A_964 : memref<!tpu.dma_semaphore, #tpu.memory_space<semaphore_mem>>) src(%dma_wait3A_970 : memref<200x256xf32, #tpu.memory_space<hbm>>) dst(%dma_wait3A_968 : memref<200x256xf32, #tpu.memory_space<vmem>>)
    %add3A_971 = arith.constant 384 : i32
    %add3A_972 = arith.addi %add3A, %add3A_971 : i32
    %min3A_973 = arith.constant 499 : i32
    %min3A_974 = arith.minsi %add3A_972, %min3A_973 : i32
    %mul3A_975 = arith.constant 200 : i32
    %mul3A_976 = arith.muli %min3A_974, %mul3A_975 : i32
    %dma_start3A_977 = arith.constant 0 : i32
    %dma_start3A_978 = arith.constant 0 : i32
    %dma_start3A_979 = arith.constant 0 : i32
    %dma_start3A_980 = arith.constant 0 : i32
    %dma_start3A_981 = tpu.memref_slice %arg4[%dma_start3A_977, %dma_start3A_979, %dma_start3A_980] : memref<2x200x256xf32, #tpu.memory_space<vmem>> -> memref<1x200x256xf32, #tpu.memory_space<vmem>>
    %dma_start3A_982 = tpu.memref_squeeze %dma_start3A_981 : memref<1x200x256xf32, #tpu.memory_space<vmem>> -> memref<200x256xf32, #tpu.memory_space<vmem>>
    %dma_start3A_983 = arith.constant 0 : i32
    %dma_start3A_984 = tpu.memref_slice %arg3[%mul3A_976, %dma_start3A_983] : memref<100000x256xf32, #tpu.memory_space<hbm>> -> memref<200x256xf32, #tpu.memory_space<hbm>>
    %dma_start3A_985 = tpu.memref_slice %arg6[%dma_start3A_978] : memref<2x!tpu.dma_semaphore, #tpu.memory_space<semaphore_mem>> -> memref<1x!tpu.dma_semaphore, #tpu.memory_space<semaphore_mem>>
    %dma_start3A_986 = tpu.memref_squeeze %dma_start3A_985 : memref<1x!tpu.dma_semaphore, #tpu.memory_space<semaphore_mem>> -> memref<!tpu.dma_semaphore, #tpu.memory_space<semaphore_mem>>
    %dma_start3A_987 = arith.constant 0 : i32
    %dma_start3A_988 = tpu.memref_slice %arg3[%mul3A_976, %dma_start3A_987] : memref<100000x256xf32, #tpu.memory_space<hbm>> -> memref<200x256xf32, #tpu.memory_space<hbm>>
    %dma_start3A_989 = arith.constant 0 : i32
    %dma_start3A_990 = arith.constant 0 : i32
    %dma_start3A_991 = tpu.memref_slice %arg4[%dma_start3A_977, %dma_start3A_989, %dma_start3A_990] : memref<2x200x256xf32, #tpu.memory_space<vmem>> -> memref<1x200x256xf32, #tpu.memory_space<vmem>>
    %dma_start3A_992 = tpu.memref_squeeze %dma_start3A_991 : memref<1x200x256xf32, #tpu.memory_space<vmem>> -> memref<200x256xf32, #tpu.memory_space<vmem>>
    tpu.enqueue_dma source(%dma_start3A_992 : memref<200x256xf32, #tpu.memory_space<vmem>>) target(%dma_start3A_988 : memref<200x256xf32, #tpu.memory_space<hbm>>) target_semaphore(%dma_start3A_986 : memref<!tpu.dma_semaphore, #tpu.memory_space<semaphore_mem>>)
    %dma_wait3A_993 = arith.constant 0 : i32
    %dma_wait3A_994 = arith.constant 0 : i32
    %dma_wait3A_995 = arith.constant 0 : i32
    %dma_wait3A_996 = arith.constant 0 : i32
    %dma_wait3A_997 = tpu.memref_slice %arg4[%dma_wait3A_993, %dma_wait3A_995, %dma_wait3A_996] : memref<2x200x256xf32, #tpu.memory_space<vmem>> -> memref<1x200x256xf32, #tpu.memory_space<vmem>>
    %dma_wait3A_998 = tpu.memref_squeeze %dma_wait3A_997 : memref<1x200x256xf32, #tpu.memory_space<vmem>> -> memref<200x256xf32, #tpu.memory_space<vmem>>
    %dma_wait3A_999 = arith.constant 0 : i32
    %dma_wait3A_1000 = tpu.memref_slice %arg3[%mul3A_976, %dma_wait3A_999] : memref<100000x256xf32, #tpu.memory_space<hbm>> -> memref<200x256xf32, #tpu.memory_space<hbm>>
    %dma_wait3A_1001 = tpu.memref_slice %arg6[%dma_wait3A_994] : memref<2x!tpu.dma_semaphore, #tpu.memory_space<semaphore_mem>> -> memref<1x!tpu.dma_semaphore, #tpu.memory_space<semaphore_mem>>
    %dma_wait3A_1002 = tpu.memref_squeeze %dma_wait3A_1001 : memref<1x!tpu.dma_semaphore, #tpu.memory_space<semaphore_mem>> -> memref<!tpu.dma_semaphore, #tpu.memory_space<semaphore_mem>>
    %dma_wait3A_1003 = arith.constant 0 : i32
    %dma_wait3A_1004 = tpu.memref_slice %arg3[%mul3A_976, %dma_wait3A_1003] : memref<100000x256xf32, #tpu.memory_space<hbm>> -> memref<200x256xf32, #tpu.memory_space<hbm>>
    %dma_wait3A_1005 = arith.constant 0 : i32
    %dma_wait3A_1006 = arith.constant 0 : i32
    %dma_wait3A_1007 = tpu.memref_slice %arg4[%dma_wait3A_993, %dma_wait3A_1005, %dma_wait3A_1006] : memref<2x200x256xf32, #tpu.memory_space<vmem>> -> memref<1x200x256xf32, #tpu.memory_space<vmem>>
    %dma_wait3A_1008 = tpu.memref_squeeze %dma_wait3A_1007 : memref<1x200x256xf32, #tpu.memory_space<vmem>> -> memref<200x256xf32, #tpu.memory_space<vmem>>
    tpu.wait_dma2 semaphore(%dma_wait3A_1002 : memref<!tpu.dma_semaphore, #tpu.memory_space<semaphore_mem>>) src(%dma_wait3A_1008 : memref<200x256xf32, #tpu.memory_space<vmem>>) dst(%dma_wait3A_1004 : memref<200x256xf32, #tpu.memory_space<hbm>>)
    %add3A_1009 = arith.constant 448 : i32
    %add3A_1010 = arith.addi %add3A, %add3A_1009 : i32
    %min3A_1011 = arith.constant 499 : i32
    %min3A_1012 = arith.minsi %add3A_1010, %min3A_1011 : i32
    %mul3A_1013 = arith.constant 200 : i32
    %mul3A_1014 = arith.muli %min3A_1012, %mul3A_1013 : i32
    %dma_start3A_1015 = arith.constant 0 : i32
    %dma_start3A_1016 = arith.constant 0 : i32
    %dma_start3A_1017 = arith.constant 0 : i32
    %dma_start3A_1018 = arith.constant 0 : i32
    %dma_start3A_1019 = tpu.memref_slice %arg4[%dma_start3A_1015, %dma_start3A_1017, %dma_start3A_1018] : memref<2x200x256xf32, #tpu.memory_space<vmem>> -> memref<1x200x256xf32, #tpu.memory_space<vmem>>
    %dma_start3A_1020 = tpu.memref_squeeze %dma_start3A_1019 : memref<1x200x256xf32, #tpu.memory_space<vmem>> -> memref<200x256xf32, #tpu.memory_space<vmem>>
    %dma_start3A_1021 = arith.constant 0 : i32
    %dma_start3A_1022 = tpu.memref_slice %arg2[%mul3A_1014, %dma_start3A_1021] : memref<100000x256xf32, #tpu.memory_space<hbm>> -> memref<200x256xf32, #tpu.memory_space<hbm>>
    %dma_start3A_1023 = tpu.memref_slice %arg5[%dma_start3A_1016] : memref<2x!tpu.dma_semaphore, #tpu.memory_space<semaphore_mem>> -> memref<1x!tpu.dma_semaphore, #tpu.memory_space<semaphore_mem>>
    %dma_start3A_1024 = tpu.memref_squeeze %dma_start3A_1023 : memref<1x!tpu.dma_semaphore, #tpu.memory_space<semaphore_mem>> -> memref<!tpu.dma_semaphore, #tpu.memory_space<semaphore_mem>>
    %dma_start3A_1025 = arith.constant 0 : i32
    %dma_start3A_1026 = arith.constant 0 : i32
    %dma_start3A_1027 = tpu.memref_slice %arg4[%dma_start3A_1015, %dma_start3A_1025, %dma_start3A_1026] : memref<2x200x256xf32, #tpu.memory_space<vmem>> -> memref<1x200x256xf32, #tpu.memory_space<vmem>>
    %dma_start3A_1028 = tpu.memref_squeeze %dma_start3A_1027 : memref<1x200x256xf32, #tpu.memory_space<vmem>> -> memref<200x256xf32, #tpu.memory_space<vmem>>
    %dma_start3A_1029 = arith.constant 0 : i32
    %dma_start3A_1030 = tpu.memref_slice %arg2[%mul3A_1014, %dma_start3A_1029] : memref<100000x256xf32, #tpu.memory_space<hbm>> -> memref<200x256xf32, #tpu.memory_space<hbm>>
    tpu.enqueue_dma source(%dma_start3A_1030 : memref<200x256xf32, #tpu.memory_space<hbm>>) target(%dma_start3A_1028 : memref<200x256xf32, #tpu.memory_space<vmem>>) target_semaphore(%dma_start3A_1024 : memref<!tpu.dma_semaphore, #tpu.memory_space<semaphore_mem>>)
    %dma_wait3A_1031 = arith.constant 1 : i32
    %dma_wait3A_1032 = arith.constant 1 : i32
    %dma_wait3A_1033 = arith.constant 0 : i32
    %dma_wait3A_1034 = arith.constant 0 : i32
    %dma_wait3A_1035 = tpu.memref_slice %arg4[%dma_wait3A_1031, %dma_wait3A_1033, %dma_wait3A_1034] : memref<2x200x256xf32, #tpu.memory_space<vmem>> -> memref<1x200x256xf32, #tpu.memory_space<vmem>>
    %dma_wait3A_1036 = tpu.memref_squeeze %dma_wait3A_1035 : memref<1x200x256xf32, #tpu.memory_space<vmem>> -> memref<200x256xf32, #tpu.memory_space<vmem>>
    %dma_wait3A_1037 = arith.constant 0 : i32
    %dma_wait3A_1038 = tpu.memref_slice %arg2[%mul3A_938, %dma_wait3A_1037] : memref<100000x256xf32, #tpu.memory_space<hbm>> -> memref<200x256xf32, #tpu.memory_space<hbm>>
    %dma_wait3A_1039 = tpu.memref_slice %arg5[%dma_wait3A_1032] : memref<2x!tpu.dma_semaphore, #tpu.memory_space<semaphore_mem>> -> memref<1x!tpu.dma_semaphore, #tpu.memory_space<semaphore_mem>>
    %dma_wait3A_1040 = tpu.memref_squeeze %dma_wait3A_1039 : memref<1x!tpu.dma_semaphore, #tpu.memory_space<semaphore_mem>> -> memref<!tpu.dma_semaphore, #tpu.memory_space<semaphore_mem>>
    %dma_wait3A_1041 = arith.constant 0 : i32
    %dma_wait3A_1042 = arith.constant 0 : i32
    %dma_wait3A_1043 = tpu.memref_slice %arg4[%dma_wait3A_1031, %dma_wait3A_1041, %dma_wait3A_1042] : memref<2x200x256xf32, #tpu.memory_space<vmem>> -> memref<1x200x256xf32, #tpu.memory_space<vmem>>
    %dma_wait3A_1044 = tpu.memref_squeeze %dma_wait3A_1043 : memref<1x200x256xf32, #tpu.memory_space<vmem>> -> memref<200x256xf32, #tpu.memory_space<vmem>>
    %dma_wait3A_1045 = arith.constant 0 : i32
    %dma_wait3A_1046 = tpu.memref_slice %arg2[%mul3A_938, %dma_wait3A_1045] : memref<100000x256xf32, #tpu.memory_space<hbm>> -> memref<200x256xf32, #tpu.memory_space<hbm>>
    tpu.wait_dma2 semaphore(%dma_wait3A_1040 : memref<!tpu.dma_semaphore, #tpu.memory_space<semaphore_mem>>) src(%dma_wait3A_1046 : memref<200x256xf32, #tpu.memory_space<hbm>>) dst(%dma_wait3A_1044 : memref<200x256xf32, #tpu.memory_space<vmem>>)
    %add3A_1047 = arith.constant 416 : i32
    %add3A_1048 = arith.addi %add3A, %add3A_1047 : i32
    %min3A_1049 = arith.constant 499 : i32
    %min3A_1050 = arith.minsi %add3A_1048, %min3A_1049 : i32
    %mul3A_1051 = arith.constant 200 : i32
    %mul3A_1052 = arith.muli %min3A_1050, %mul3A_1051 : i32
    %dma_start3A_1053 = arith.constant 1 : i32
    %dma_start3A_1054 = arith.constant 1 : i32
    %dma_start3A_1055 = arith.constant 0 : i32
    %dma_start3A_1056 = arith.constant 0 : i32
    %dma_start3A_1057 = tpu.memref_slice %arg4[%dma_start3A_1053, %dma_start3A_1055, %dma_start3A_1056] : memref<2x200x256xf32, #tpu.memory_space<vmem>> -> memref<1x200x256xf32, #tpu.memory_space<vmem>>
    %dma_start3A_1058 = tpu.memref_squeeze %dma_start3A_1057 : memref<1x200x256xf32, #tpu.memory_space<vmem>> -> memref<200x256xf32, #tpu.memory_space<vmem>>
    %dma_start3A_1059 = arith.constant 0 : i32
    %dma_start3A_1060 = tpu.memref_slice %arg3[%mul3A_1052, %dma_start3A_1059] : memref<100000x256xf32, #tpu.memory_space<hbm>> -> memref<200x256xf32, #tpu.memory_space<hbm>>
    %dma_start3A_1061 = tpu.memref_slice %arg6[%dma_start3A_1054] : memref<2x!tpu.dma_semaphore, #tpu.memory_space<semaphore_mem>> -> memref<1x!tpu.dma_semaphore, #tpu.memory_space<semaphore_mem>>
    %dma_start3A_1062 = tpu.memref_squeeze %dma_start3A_1061 : memref<1x!tpu.dma_semaphore, #tpu.memory_space<semaphore_mem>> -> memref<!tpu.dma_semaphore, #tpu.memory_space<semaphore_mem>>
    %dma_start3A_1063 = arith.constant 0 : i32
    %dma_start3A_1064 = tpu.memref_slice %arg3[%mul3A_1052, %dma_start3A_1063] : memref<100000x256xf32, #tpu.memory_space<hbm>> -> memref<200x256xf32, #tpu.memory_space<hbm>>
    %dma_start3A_1065 = arith.constant 0 : i32
    %dma_start3A_1066 = arith.constant 0 : i32
    %dma_start3A_1067 = tpu.memref_slice %arg4[%dma_start3A_1053, %dma_start3A_1065, %dma_start3A_1066] : memref<2x200x256xf32, #tpu.memory_space<vmem>> -> memref<1x200x256xf32, #tpu.memory_space<vmem>>
    %dma_start3A_1068 = tpu.memref_squeeze %dma_start3A_1067 : memref<1x200x256xf32, #tpu.memory_space<vmem>> -> memref<200x256xf32, #tpu.memory_space<vmem>>
    tpu.enqueue_dma source(%dma_start3A_1068 : memref<200x256xf32, #tpu.memory_space<vmem>>) target(%dma_start3A_1064 : memref<200x256xf32, #tpu.memory_space<hbm>>) target_semaphore(%dma_start3A_1062 : memref<!tpu.dma_semaphore, #tpu.memory_space<semaphore_mem>>)
    %dma_wait3A_1069 = arith.constant 1 : i32
    %dma_wait3A_1070 = arith.constant 1 : i32
    %dma_wait3A_1071 = arith.constant 0 : i32
    %dma_wait3A_1072 = arith.constant 0 : i32
    %dma_wait3A_1073 = tpu.memref_slice %arg4[%dma_wait3A_1069, %dma_wait3A_1071, %dma_wait3A_1072] : memref<2x200x256xf32, #tpu.memory_space<vmem>> -> memref<1x200x256xf32, #tpu.memory_space<vmem>>
    %dma_wait3A_1074 = tpu.memref_squeeze %dma_wait3A_1073 : memref<1x200x256xf32, #tpu.memory_space<vmem>> -> memref<200x256xf32, #tpu.memory_space<vmem>>
    %dma_wait3A_1075 = arith.constant 0 : i32
    %dma_wait3A_1076 = tpu.memref_slice %arg3[%mul3A_1052, %dma_wait3A_1075] : memref<100000x256xf32, #tpu.memory_space<hbm>> -> memref<200x256xf32, #tpu.memory_space<hbm>>
    %dma_wait3A_1077 = tpu.memref_slice %arg6[%dma_wait3A_1070] : memref<2x!tpu.dma_semaphore, #tpu.memory_space<semaphore_mem>> -> memref<1x!tpu.dma_semaphore, #tpu.memory_space<semaphore_mem>>
    %dma_wait3A_1078 = tpu.memref_squeeze %dma_wait3A_1077 : memref<1x!tpu.dma_semaphore, #tpu.memory_space<semaphore_mem>> -> memref<!tpu.dma_semaphore, #tpu.memory_space<semaphore_mem>>
    %dma_wait3A_1079 = arith.constant 0 : i32
    %dma_wait3A_1080 = tpu.memref_slice %arg3[%mul3A_1052, %dma_wait3A_1079] : memref<100000x256xf32, #tpu.memory_space<hbm>> -> memref<200x256xf32, #tpu.memory_space<hbm>>
    %dma_wait3A_1081 = arith.constant 0 : i32
    %dma_wait3A_1082 = arith.constant 0 : i32
    %dma_wait3A_1083 = tpu.memref_slice %arg4[%dma_wait3A_1069, %dma_wait3A_1081, %dma_wait3A_1082] : memref<2x200x256xf32, #tpu.memory_space<vmem>> -> memref<1x200x256xf32, #tpu.memory_space<vmem>>
    %dma_wait3A_1084 = tpu.memref_squeeze %dma_wait3A_1083 : memref<1x200x256xf32, #tpu.memory_space<vmem>> -> memref<200x256xf32, #tpu.memory_space<vmem>>
    tpu.wait_dma2 semaphore(%dma_wait3A_1078 : memref<!tpu.dma_semaphore, #tpu.memory_space<semaphore_mem>>) src(%dma_wait3A_1084 : memref<200x256xf32, #tpu.memory_space<vmem>>) dst(%dma_wait3A_1080 : memref<200x256xf32, #tpu.memory_space<hbm>>)
    %add3A_1085 = arith.constant 480 : i32
    %add3A_1086 = arith.addi %add3A, %add3A_1085 : i32
    %min3A_1087 = arith.constant 499 : i32
    %min3A_1088 = arith.minsi %add3A_1086, %min3A_1087 : i32
    %mul3A_1089 = arith.constant 200 : i32
    %mul3A_1090 = arith.muli %min3A_1088, %mul3A_1089 : i32
    %convert_element_type3A = arith.extui %lt3A_1 : i1 to i32
    %cond3A = arith.constant 1 : i32
    %cond3A_1091 = arith.constant 1 : i32
    %cond3A_1092 = arith.constant 0 : i32
    %cond3A_1093 = arith.cmpi ne, %convert_element_type3A, %cond3A_1092 : i32
    scf.if %cond3A_1093 {
      %dma_start3A_1169 = arith.constant 0 : i32
      %dma_start3A_1170 = arith.constant 0 : i32
      %dma_start3A_1171 = tpu.memref_slice %arg4[%cond3A, %dma_start3A_1169, %dma_start3A_1170] : memref<2x200x256xf32, #tpu.memory_space<vmem>> -> memref<1x200x256xf32, #tpu.memory_space<vmem>>
      %dma_start3A_1172 = tpu.memref_squeeze %dma_start3A_1171 : memref<1x200x256xf32, #tpu.memory_space<vmem>> -> memref<200x256xf32, #tpu.memory_space<vmem>>
      %dma_start3A_1173 = arith.constant 0 : i32
      %dma_start3A_1174 = tpu.memref_slice %arg2[%mul3A_1090, %dma_start3A_1173] : memref<100000x256xf32, #tpu.memory_space<hbm>> -> memref<200x256xf32, #tpu.memory_space<hbm>>
      %dma_start3A_1175 = tpu.memref_slice %arg5[%cond3A_1091] : memref<2x!tpu.dma_semaphore, #tpu.memory_space<semaphore_mem>> -> memref<1x!tpu.dma_semaphore, #tpu.memory_space<semaphore_mem>>
      %dma_start3A_1176 = tpu.memref_squeeze %dma_start3A_1175 : memref<1x!tpu.dma_semaphore, #tpu.memory_space<semaphore_mem>> -> memref<!tpu.dma_semaphore, #tpu.memory_space<semaphore_mem>>
      %dma_start3A_1177 = arith.constant 0 : i32
      %dma_start3A_1178 = arith.constant 0 : i32
      %dma_start3A_1179 = tpu.memref_slice %arg4[%cond3A, %dma_start3A_1177, %dma_start3A_1178] : memref<2x200x256xf32, #tpu.memory_space<vmem>> -> memref<1x200x256xf32, #tpu.memory_space<vmem>>
      %dma_start3A_1180 = tpu.memref_squeeze %dma_start3A_1179 : memref<1x200x256xf32, #tpu.memory_space<vmem>> -> memref<200x256xf32, #tpu.memory_space<vmem>>
      %dma_start3A_1181 = arith.constant 0 : i32
      %dma_start3A_1182 = tpu.memref_slice %arg2[%mul3A_1090, %dma_start3A_1181] : memref<100000x256xf32, #tpu.memory_space<hbm>> -> memref<200x256xf32, #tpu.memory_space<hbm>>
      tpu.enqueue_dma source(%dma_start3A_1182 : memref<200x256xf32, #tpu.memory_space<hbm>>) target(%dma_start3A_1180 : memref<200x256xf32, #tpu.memory_space<vmem>>) target_semaphore(%dma_start3A_1176 : memref<!tpu.dma_semaphore, #tpu.memory_space<semaphore_mem>>)
    } else {
    }
    %dma_wait3A_1094 = arith.constant 0 : i32
    %dma_wait3A_1095 = arith.constant 0 : i32
    %dma_wait3A_1096 = arith.constant 0 : i32
    %dma_wait3A_1097 = arith.constant 0 : i32
    %dma_wait3A_1098 = tpu.memref_slice %arg4[%dma_wait3A_1094, %dma_wait3A_1096, %dma_wait3A_1097] : memref<2x200x256xf32, #tpu.memory_space<vmem>> -> memref<1x200x256xf32, #tpu.memory_space<vmem>>
    %dma_wait3A_1099 = tpu.memref_squeeze %dma_wait3A_1098 : memref<1x200x256xf32, #tpu.memory_space<vmem>> -> memref<200x256xf32, #tpu.memory_space<vmem>>
    %dma_wait3A_1100 = arith.constant 0 : i32
    %dma_wait3A_1101 = tpu.memref_slice %arg2[%mul3A_1014, %dma_wait3A_1100] : memref<100000x256xf32, #tpu.memory_space<hbm>> -> memref<200x256xf32, #tpu.memory_space<hbm>>
    %dma_wait3A_1102 = tpu.memref_slice %arg5[%dma_wait3A_1095] : memref<2x!tpu.dma_semaphore, #tpu.memory_space<semaphore_mem>> -> memref<1x!tpu.dma_semaphore, #tpu.memory_space<semaphore_mem>>
    %dma_wait3A_1103 = tpu.memref_squeeze %dma_wait3A_1102 : memref<1x!tpu.dma_semaphore, #tpu.memory_space<semaphore_mem>> -> memref<!tpu.dma_semaphore, #tpu.memory_space<semaphore_mem>>
    %dma_wait3A_1104 = arith.constant 0 : i32
    %dma_wait3A_1105 = arith.constant 0 : i32
    %dma_wait3A_1106 = tpu.memref_slice %arg4[%dma_wait3A_1094, %dma_wait3A_1104, %dma_wait3A_1105] : memref<2x200x256xf32, #tpu.memory_space<vmem>> -> memref<1x200x256xf32, #tpu.memory_space<vmem>>
    %dma_wait3A_1107 = tpu.memref_squeeze %dma_wait3A_1106 : memref<1x200x256xf32, #tpu.memory_space<vmem>> -> memref<200x256xf32, #tpu.memory_space<vmem>>
    %dma_wait3A_1108 = arith.constant 0 : i32
    %dma_wait3A_1109 = tpu.memref_slice %arg2[%mul3A_1014, %dma_wait3A_1108] : memref<100000x256xf32, #tpu.memory_space<hbm>> -> memref<200x256xf32, #tpu.memory_space<hbm>>
    tpu.wait_dma2 semaphore(%dma_wait3A_1103 : memref<!tpu.dma_semaphore, #tpu.memory_space<semaphore_mem>>) src(%dma_wait3A_1109 : memref<200x256xf32, #tpu.memory_space<hbm>>) dst(%dma_wait3A_1107 : memref<200x256xf32, #tpu.memory_space<vmem>>)
    %add3A_1110 = arith.constant 448 : i32
    %add3A_1111 = arith.addi %add3A, %add3A_1110 : i32
    %min3A_1112 = arith.constant 499 : i32
    %min3A_1113 = arith.minsi %add3A_1111, %min3A_1112 : i32
    %mul3A_1114 = arith.constant 200 : i32
    %mul3A_1115 = arith.muli %min3A_1113, %mul3A_1114 : i32
    %dma_start3A_1116 = arith.constant 0 : i32
    %dma_start3A_1117 = arith.constant 0 : i32
    %dma_start3A_1118 = arith.constant 0 : i32
    %dma_start3A_1119 = arith.constant 0 : i32
    %dma_start3A_1120 = tpu.memref_slice %arg4[%dma_start3A_1116, %dma_start3A_1118, %dma_start3A_1119] : memref<2x200x256xf32, #tpu.memory_space<vmem>> -> memref<1x200x256xf32, #tpu.memory_space<vmem>>
    %dma_start3A_1121 = tpu.memref_squeeze %dma_start3A_1120 : memref<1x200x256xf32, #tpu.memory_space<vmem>> -> memref<200x256xf32, #tpu.memory_space<vmem>>
    %dma_start3A_1122 = arith.constant 0 : i32
    %dma_start3A_1123 = tpu.memref_slice %arg3[%mul3A_1115, %dma_start3A_1122] : memref<100000x256xf32, #tpu.memory_space<hbm>> -> memref<200x256xf32, #tpu.memory_space<hbm>>
    %dma_start3A_1124 = tpu.memref_slice %arg6[%dma_start3A_1117] : memref<2x!tpu.dma_semaphore, #tpu.memory_space<semaphore_mem>> -> memref<1x!tpu.dma_semaphore, #tpu.memory_space<semaphore_mem>>
    %dma_start3A_1125 = tpu.memref_squeeze %dma_start3A_1124 : memref<1x!tpu.dma_semaphore, #tpu.memory_space<semaphore_mem>> -> memref<!tpu.dma_semaphore, #tpu.memory_space<semaphore_mem>>
    %dma_start3A_1126 = arith.constant 0 : i32
    %dma_start3A_1127 = tpu.memref_slice %arg3[%mul3A_1115, %dma_start3A_1126] : memref<100000x256xf32, #tpu.memory_space<hbm>> -> memref<200x256xf32, #tpu.memory_space<hbm>>
    %dma_start3A_1128 = arith.constant 0 : i32
    %dma_start3A_1129 = arith.constant 0 : i32
    %dma_start3A_1130 = tpu.memref_slice %arg4[%dma_start3A_1116, %dma_start3A_1128, %dma_start3A_1129] : memref<2x200x256xf32, #tpu.memory_space<vmem>> -> memref<1x200x256xf32, #tpu.memory_space<vmem>>
    %dma_start3A_1131 = tpu.memref_squeeze %dma_start3A_1130 : memref<1x200x256xf32, #tpu.memory_space<vmem>> -> memref<200x256xf32, #tpu.memory_space<vmem>>
    tpu.enqueue_dma source(%dma_start3A_1131 : memref<200x256xf32, #tpu.memory_space<vmem>>) target(%dma_start3A_1127 : memref<200x256xf32, #tpu.memory_space<hbm>>) target_semaphore(%dma_start3A_1125 : memref<!tpu.dma_semaphore, #tpu.memory_space<semaphore_mem>>)
    %convert_element_type3A_1132 = arith.extui %lt3A_1 : i1 to i32
    %cond3A_1133 = arith.constant 1 : i32
    %cond3A_1134 = arith.constant 1 : i32
    %cond3A_1135 = arith.constant 0 : i32
    %cond3A_1136 = arith.cmpi ne, %convert_element_type3A_1132, %cond3A_1135 : i32
    scf.if %cond3A_1136 {
      %dma_wait3A_1169 = arith.constant 0 : i32
      %dma_wait3A_1170 = arith.constant 0 : i32
      %dma_wait3A_1171 = tpu.memref_slice %arg4[%cond3A_1133, %dma_wait3A_1169, %dma_wait3A_1170] : memref<2x200x256xf32, #tpu.memory_space<vmem>> -> memref<1x200x256xf32, #tpu.memory_space<vmem>>
      %dma_wait3A_1172 = tpu.memref_squeeze %dma_wait3A_1171 : memref<1x200x256xf32, #tpu.memory_space<vmem>> -> memref<200x256xf32, #tpu.memory_space<vmem>>
      %dma_wait3A_1173 = arith.constant 0 : i32
      %dma_wait3A_1174 = tpu.memref_slice %arg2[%mul3A_1090, %dma_wait3A_1173] : memref<100000x256xf32, #tpu.memory_space<hbm>> -> memref<200x256xf32, #tpu.memory_space<hbm>>
      %dma_wait3A_1175 = tpu.memref_slice %arg5[%cond3A_1134] : memref<2x!tpu.dma_semaphore, #tpu.memory_space<semaphore_mem>> -> memref<1x!tpu.dma_semaphore, #tpu.memory_space<semaphore_mem>>
      %dma_wait3A_1176 = tpu.memref_squeeze %dma_wait3A_1175 : memref<1x!tpu.dma_semaphore, #tpu.memory_space<semaphore_mem>> -> memref<!tpu.dma_semaphore, #tpu.memory_space<semaphore_mem>>
      %dma_wait3A_1177 = arith.constant 0 : i32
      %dma_wait3A_1178 = arith.constant 0 : i32
      %dma_wait3A_1179 = tpu.memref_slice %arg4[%cond3A_1133, %dma_wait3A_1177, %dma_wait3A_1178] : memref<2x200x256xf32, #tpu.memory_space<vmem>> -> memref<1x200x256xf32, #tpu.memory_space<vmem>>
      %dma_wait3A_1180 = tpu.memref_squeeze %dma_wait3A_1179 : memref<1x200x256xf32, #tpu.memory_space<vmem>> -> memref<200x256xf32, #tpu.memory_space<vmem>>
      %dma_wait3A_1181 = arith.constant 0 : i32
      %dma_wait3A_1182 = tpu.memref_slice %arg2[%mul3A_1090, %dma_wait3A_1181] : memref<100000x256xf32, #tpu.memory_space<hbm>> -> memref<200x256xf32, #tpu.memory_space<hbm>>
      tpu.wait_dma2 semaphore(%dma_wait3A_1176 : memref<!tpu.dma_semaphore, #tpu.memory_space<semaphore_mem>>) src(%dma_wait3A_1182 : memref<200x256xf32, #tpu.memory_space<hbm>>) dst(%dma_wait3A_1180 : memref<200x256xf32, #tpu.memory_space<vmem>>)
    } else {
    }
    %add3A_1137 = arith.constant 480 : i32
    %add3A_1138 = arith.addi %add3A, %add3A_1137 : i32
    %min3A_1139 = arith.constant 499 : i32
    %min3A_1140 = arith.minsi %add3A_1138, %min3A_1139 : i32
    %mul3A_1141 = arith.constant 200 : i32
    %mul3A_1142 = arith.muli %min3A_1140, %mul3A_1141 : i32
    %convert_element_type3A_1143 = arith.extui %lt3A_1 : i1 to i32
    %cond3A_1144 = arith.constant 1 : i32
    %cond3A_1145 = arith.constant 1 : i32
    %cond3A_1146 = arith.constant 0 : i32
    %cond3A_1147 = arith.cmpi ne, %convert_element_type3A_1143, %cond3A_1146 : i32
    scf.if %cond3A_1147 {
      %dma_start3A_1169 = arith.constant 0 : i32
      %dma_start3A_1170 = arith.constant 0 : i32
      %dma_start3A_1171 = tpu.memref_slice %arg4[%cond3A_1144, %dma_start3A_1169, %dma_start3A_1170] : memref<2x200x256xf32, #tpu.memory_space<vmem>> -> memref<1x200x256xf32, #tpu.memory_space<vmem>>
      %dma_start3A_1172 = tpu.memref_squeeze %dma_start3A_1171 : memref<1x200x256xf32, #tpu.memory_space<vmem>> -> memref<200x256xf32, #tpu.memory_space<vmem>>
      %dma_start3A_1173 = arith.constant 0 : i32
      %dma_start3A_1174 = tpu.memref_slice %arg3[%mul3A_1142, %dma_start3A_1173] : memref<100000x256xf32, #tpu.memory_space<hbm>> -> memref<200x256xf32, #tpu.memory_space<hbm>>
      %dma_start3A_1175 = tpu.memref_slice %arg6[%cond3A_1145] : memref<2x!tpu.dma_semaphore, #tpu.memory_space<semaphore_mem>> -> memref<1x!tpu.dma_semaphore, #tpu.memory_space<semaphore_mem>>
      %dma_start3A_1176 = tpu.memref_squeeze %dma_start3A_1175 : memref<1x!tpu.dma_semaphore, #tpu.memory_space<semaphore_mem>> -> memref<!tpu.dma_semaphore, #tpu.memory_space<semaphore_mem>>
      %dma_start3A_1177 = arith.constant 0 : i32
      %dma_start3A_1178 = tpu.memref_slice %arg3[%mul3A_1142, %dma_start3A_1177] : memref<100000x256xf32, #tpu.memory_space<hbm>> -> memref<200x256xf32, #tpu.memory_space<hbm>>
      %dma_start3A_1179 = arith.constant 0 : i32
      %dma_start3A_1180 = arith.constant 0 : i32
      %dma_start3A_1181 = tpu.memref_slice %arg4[%cond3A_1144, %dma_start3A_1179, %dma_start3A_1180] : memref<2x200x256xf32, #tpu.memory_space<vmem>> -> memref<1x200x256xf32, #tpu.memory_space<vmem>>
      %dma_start3A_1182 = tpu.memref_squeeze %dma_start3A_1181 : memref<1x200x256xf32, #tpu.memory_space<vmem>> -> memref<200x256xf32, #tpu.memory_space<vmem>>
      tpu.enqueue_dma source(%dma_start3A_1182 : memref<200x256xf32, #tpu.memory_space<vmem>>) target(%dma_start3A_1178 : memref<200x256xf32, #tpu.memory_space<hbm>>) target_semaphore(%dma_start3A_1176 : memref<!tpu.dma_semaphore, #tpu.memory_space<semaphore_mem>>)
    } else {
    }
    %dma_wait3A_1148 = arith.constant 0 : i32
    %dma_wait3A_1149 = arith.constant 0 : i32
    %dma_wait3A_1150 = arith.constant 0 : i32
    %dma_wait3A_1151 = arith.constant 0 : i32
    %dma_wait3A_1152 = tpu.memref_slice %arg4[%dma_wait3A_1148, %dma_wait3A_1150, %dma_wait3A_1151] : memref<2x200x256xf32, #tpu.memory_space<vmem>> -> memref<1x200x256xf32, #tpu.memory_space<vmem>>
    %dma_wait3A_1153 = tpu.memref_squeeze %dma_wait3A_1152 : memref<1x200x256xf32, #tpu.memory_space<vmem>> -> memref<200x256xf32, #tpu.memory_space<vmem>>
    %dma_wait3A_1154 = arith.constant 0 : i32
    %dma_wait3A_1155 = tpu.memref_slice %arg3[%mul3A_1115, %dma_wait3A_1154] : memref<100000x256xf32, #tpu.memory_space<hbm>> -> memref<200x256xf32, #tpu.memory_space<hbm>>
    %dma_wait3A_1156 = tpu.memref_slice %arg6[%dma_wait3A_1149] : memref<2x!tpu.dma_semaphore, #tpu.memory_space<semaphore_mem>> -> memref<1x!tpu.dma_semaphore, #tpu.memory_space<semaphore_mem>>
    %dma_wait3A_1157 = tpu.memref_squeeze %dma_wait3A_1156 : memref<1x!tpu.dma_semaphore, #tpu.memory_space<semaphore_mem>> -> memref<!tpu.dma_semaphore, #tpu.memory_space<semaphore_mem>>
    %dma_wait3A_1158 = arith.constant 0 : i32
    %dma_wait3A_1159 = tpu.memref_slice %arg3[%mul3A_1115, %dma_wait3A_1158] : memref<100000x256xf32, #tpu.memory_space<hbm>> -> memref<200x256xf32, #tpu.memory_space<hbm>>
    %dma_wait3A_1160 = arith.constant 0 : i32
    %dma_wait3A_1161 = arith.constant 0 : i32
    %dma_wait3A_1162 = tpu.memref_slice %arg4[%dma_wait3A_1148, %dma_wait3A_1160, %dma_wait3A_1161] : memref<2x200x256xf32, #tpu.memory_space<vmem>> -> memref<1x200x256xf32, #tpu.memory_space<vmem>>
    %dma_wait3A_1163 = tpu.memref_squeeze %dma_wait3A_1162 : memref<1x200x256xf32, #tpu.memory_space<vmem>> -> memref<200x256xf32, #tpu.memory_space<vmem>>
    tpu.wait_dma2 semaphore(%dma_wait3A_1157 : memref<!tpu.dma_semaphore, #tpu.memory_space<semaphore_mem>>) src(%dma_wait3A_1163 : memref<200x256xf32, #tpu.memory_space<vmem>>) dst(%dma_wait3A_1159 : memref<200x256xf32, #tpu.memory_space<hbm>>)
    %convert_element_type3A_1164 = arith.extui %lt3A_1 : i1 to i32
    %cond3A_1165 = arith.constant 1 : i32
    %cond3A_1166 = arith.constant 1 : i32
    %cond3A_1167 = arith.constant 0 : i32
    %cond3A_1168 = arith.cmpi ne, %convert_element_type3A_1164, %cond3A_1167 : i32
    scf.if %cond3A_1168 {
      %dma_wait3A_1169 = arith.constant 0 : i32
      %dma_wait3A_1170 = arith.constant 0 : i32
      %dma_wait3A_1171 = tpu.memref_slice %arg4[%cond3A_1165, %dma_wait3A_1169, %dma_wait3A_1170] : memref<2x200x256xf32, #tpu.memory_space<vmem>> -> memref<1x200x256xf32, #tpu.memory_space<vmem>>
      %dma_wait3A_1172 = tpu.memref_squeeze %dma_wait3A_1171 : memref<1x200x256xf32, #tpu.memory_space<vmem>> -> memref<200x256xf32, #tpu.memory_space<vmem>>
      %dma_wait3A_1173 = arith.constant 0 : i32
      %dma_wait3A_1174 = tpu.memref_slice %arg3[%mul3A_1142, %dma_wait3A_1173] : memref<100000x256xf32, #tpu.memory_space<hbm>> -> memref<200x256xf32, #tpu.memory_space<hbm>>
      %dma_wait3A_1175 = tpu.memref_slice %arg6[%cond3A_1166] : memref<2x!tpu.dma_semaphore, #tpu.memory_space<semaphore_mem>> -> memref<1x!tpu.dma_semaphore, #tpu.memory_space<semaphore_mem>>
      %dma_wait3A_1176 = tpu.memref_squeeze %dma_wait3A_1175 : memref<1x!tpu.dma_semaphore, #tpu.memory_space<semaphore_mem>> -> memref<!tpu.dma_semaphore, #tpu.memory_space<semaphore_mem>>
      %dma_wait3A_1177 = arith.constant 0 : i32
      %dma_wait3A_1178 = tpu.memref_slice %arg3[%mul3A_1142, %dma_wait3A_1177] : memref<100000x256xf32, #tpu.memory_space<hbm>> -> memref<200x256xf32, #tpu.memory_space<hbm>>
      %dma_wait3A_1179 = arith.constant 0 : i32
      %dma_wait3A_1180 = arith.constant 0 : i32
      %dma_wait3A_1181 = tpu.memref_slice %arg4[%cond3A_1165, %dma_wait3A_1179, %dma_wait3A_1180] : memref<2x200x256xf32, #tpu.memory_space<vmem>> -> memref<1x200x256xf32, #tpu.memory_space<vmem>>
      %dma_wait3A_1182 = tpu.memref_squeeze %dma_wait3A_1181 : memref<1x200x256xf32, #tpu.memory_space<vmem>> -> memref<200x256xf32, #tpu.memory_space<vmem>>
      tpu.wait_dma2 semaphore(%dma_wait3A_1176 : memref<!tpu.dma_semaphore, #tpu.memory_space<semaphore_mem>>) src(%dma_wait3A_1182 : memref<200x256xf32, #tpu.memory_space<vmem>>) dst(%dma_wait3A_1178 : memref<200x256xf32, #tpu.memory_space<hbm>>)
    } else {
    }
    return
  }
}

module attributes {stable_mosaic.version = 14 : i64} {
  func.func @_tc_body(%arg0: i32, %arg1: memref<5000x256xf32, #tpu.memory_space<vmem>>, %arg2: memref<5000x256xf32, #tpu.memory_space<vmem>>) attributes {dimension_semantics = [#tpu.dimension_semantics<arbitrary>], iteration_bounds = array<i64: 20>, scalar_prefetch = 0 : i64, scratch_operands = 0 : i64, tpu.core_type = #tpu.core_type<tc>, window_params = [{transform_indices = @transform_0, window_bounds = array<i64: 5000, 256>}, {transform_indices = @transform_1, window_bounds = array<i64: 5000, 256>}]} {
    %get3A = arith.constant 0 : index
    %get3A_0 = arith.constant 0 : index
    %get3A_1 = vector.load %arg1[%get3A, %get3A_0] : memref<5000x256xf32, #tpu.memory_space<vmem>>, vector<5000x256xf32>
    %swap3A = arith.constant 0 : index
    %swap3A_2 = arith.constant 0 : index
    %swap3A_3 = vector.load %arg2[%swap3A, %swap3A_2] : memref<5000x256xf32, #tpu.memory_space<vmem>>, vector<5000x256xf32>
    tpu.vector_store %arg2[%swap3A, %swap3A_2], %get3A_1 {strides = array<i32>} : memref<5000x256xf32, #tpu.memory_space<vmem>>, vector<5000x256xf32>,
    return
  }
  func.func @transform_0(%arg0: i32) -> (i32, i32) {
    %c0_i32 = arith.constant 0 : i32
    %c0_i32_0 = arith.constant 0 : i32
    return %arg0, %c0_i32 : i32, i32
  }
  func.func @transform_1(%arg0: i32) -> (i32, i32) {
    %c0_i32 = arith.constant 0 : i32
    %c0_i32_0 = arith.constant 0 : i32
    return %arg0, %c0_i32 : i32, i32
  }
}

</mosaic_0001>

<sc_bundles>
// kernel: kernel.4.cloned.1.call-start
scs
__scs_entry_jumppad:
0x0: {  	(pc) =	sbr.rel $0x88, $3  }
0x1: {  	(tag) =	ssettag $0x0;
	lr =	simm.s32 $0x1  }
0x2: {  	[smem:$0x3F9F] =	sst lr;
	_ =	strace $0xD0000000  }
0x3: {  	_ = 	snop  }
0x4: {  	_ = 	snop  }
0x5: {  	_ = 	snop  }
0x6: {  	_ = 	snop  }
0x7: {  	_ = 	snop  }
__scs_overlays_trampoline_lowered:
0x8: {  	[smem:$0x3FAE] =	sst s0  }
0x9: {  	[smem:$0x3FAF] =	sst s1  }
0xa: {  	[smem:$0x3FB0] =	sst s2  }
0xb: {  	[smem:$0x3FB1] =	sst s3  }
0xc: {  	[smem:$0x3FB2] =	sst s4  }
0xd: {  	[smem:$0x3FB3] =	sst s5  }
0xe: {  	[smem:$0x3FB4] =	sst s6  }
0xf: {  	[smem:$0x3FB5] =	sst s7  }
0x10: {  	[smem:$0x3FB6] =	sst s8  }
0x11: {  	[smem:$0x3FB7] =	sst s9;
	s0 =	simm.s32 @!p0 $0x0  }
0x12: {  	s1 =	sld [smem:$0x3F9D];
	s0 =	simm.s32 @p0 $0x1  }
0x13: {  	[smem:$0x3FB8] =	sst s0;
	s0 =	simm.s32 @!p1 $0x0  }
0x14: {  	s2 =	sld [smem:$0x3F9C];
	s0 =	simm.s32 @p1 $0x1  }
0x15: {  	[smem:$0x3FB9] =	sst s0;
	s0 =	simm.s32 @!p2 $0x0  }
0x16: {  	s3 =	sld [smem:$0x3FDB];
	s0 =	simm.s32 @p2 $0x1  }
0x17: {  	s4 =	simm.s32 $0x1BF5;
	[smem:$0x3FBB] =	sst s0  }
0x18: {  	s0 =	sld [smem:$0x3F9E];
	_ =	swait.ge [sflag:s4], $0x0  }
0x19: {  	s7 =	sld [smem:$0x3F9F]  }
0x1a: {  	s8 =	sadd.s32 $0xFFFFE003, lr  }
0x1b: {  	s9 =	sadd.s32 $0xFFFFFEF7, lr;
	s5 =	simm.s32 $0xFFFFFFFF;
	p2 =	slt.u32 s8, $0xFFFFF086  }
0x1c: {  	p1 =	slt.u32 s9, $0xF7A;
	s5 =	simm.s32 @!p2 $0x0  }
0x1d: {  	s5 =	simm.s32 @p1 $0x1;
	p0 =	seq.s32 s7, s2  }
0x1e: {  	s7 =	smul.u32 @!p0 $0xF7A, s2;
	p2 =	seq.s32 @!p0 s5, $0x0  }
0x1f: {  	s9 =	smul.u32 $0xF7A, s1;
	s8 =	simm.s32 @!p0 $0x1BF5;
	p2 =	por !p2, p0  }
0x20: {  	[sflag:s8] =	ssyncset.s32 @!p0 $0xFFFFF086;
	s6 =	sadd.s32 @!p0 s3, s7;
	s7 =	simm.s32 @!p0 $0x108  }
0x21: {  	s3 =	sadd.s32 s3, s9;
	s6 =	sadd.s32 @!p0 $0x88, s6;
	s7 =	simm.s32 @p2 $0x1082  }
0x22: {  	[simem:s7], [sflag:s8] =	dma.local @!p0 [hbm:s6], $0xF7A  }
0x23: {  	s9 =	sor.u32 $0xD0000000, s2;
	s6 =	simm.s32 $0x108;
	_ =	swait.ge @!p0 [sflag:s8], $0x0  }
0x24: {  	s3 =	sadd.s32 $0x88, s3;
	s6 =	simm.s32 @!p1 $0x1082;
	[sflag:s4] =	ssyncset.s32 $0xFFFFF086  }
0x25: {  	[simem:s6], [sflag:s4] =	dma.local [hbm:s3], $0xF7A  }
0x26: {  	[smem:$0x3F9F] =	sst s1;
	(tag) =	ssettag s2;
	_ =	strace s9  }
0x27: {  	s1 =	sld [smem:$0x3FAF]  }
0x28: {  	s2 =	sld [smem:$0x3FB0]  }
0x29: {  	s4 =	sld [smem:$0x3FB2]  }
0x2a: {  	p0 =	seq.s32 s5, $0x0;
	s5 =	sld [smem:$0x3FB3]  }
0x2b: {  	s6 =	sld [smem:$0x3FB4]  }
0x2c: {  	s7 =	sld [smem:$0x3FB5]  }
0x2d: {  	s3 =	simm.s32 $0x108;
	s8 =	sld [smem:$0x3FB6]  }
0x2e: {  	s3 =	simm.s32 @!p0 $0x1082;
	s9 =	sld [smem:$0x3FB7]  }
0x2f: {  	lr =	sadd.s32 s0, s3;
	s0 =	sld [smem:$0x3FAE]  }
0x30: {  	s3 =	sld [smem:$0x3FB1]  }
0x31: {  	[smem:$0x3FBA] =	sst s10  }
0x32: {  	s10 =	sld [smem:$0x3FB8];
	_ =	sdelay $0x3  }
0x33: {  	p0 =	seq.s32 s10, $0x1;
	s10 =	sld [smem:$0x3FBA];
	_ =	sdelay $0x3  }
0x34: {  	[smem:$0x3FBA] =	sst s10  }
0x35: {  	s10 =	sld [smem:$0x3FB9];
	_ =	sdelay $0x3  }
0x36: {  	p1 =	seq.s32 s10, $0x1;
	s10 =	sld [smem:$0x3FBA];
	_ =	sdelay $0x3  }
0x37: {  	[smem:$0x3FBA] =	sst s10  }
0x38: {  	s10 =	sld [smem:$0x3FBB]  }
0x39: {  	_ = 	snop;
	(pc) =	sbr.ind lr, $3  }
0x3a: {  	_ = 	snop  }
0x3b: {  	_ = 	snop  }
0x3c: {  	p2 =	seq.s32 s10, $0x1;
	s10 =	sld [smem:$0x3FBA]  }
0x3d: {  	_ =	shalt  }
0x3e: {  	_ =	shalt  }
0x3f: {  	_ =	shalt  }
0x40: {  	_ =	shalt  }
0x41: {  	_ =	shalt  }
0x42: {  	_ =	shalt  }
0x43: {  	_ =	shalt  }
0x44: {  	_ =	shalt  }
0x45: {  	_ =	shalt  }
0x46: {  	_ =	shalt  }
0x47: {  	_ =	shalt  }
0x48: {  	_ =	shalt  }
0x49: {  	_ =	shalt  }
0x4a: {  	_ =	shalt  }
0x4b: {  	_ =	shalt  }
0x4c: {  	_ =	shalt  }
0x4d: {  	_ =	shalt  }
0x4e: {  	_ =	shalt  }
0x4f: {  	_ =	shalt  }
0x50: {  	_ =	shalt  }
0x51: {  	_ =	shalt  }
0x52: {  	_ =	shalt  }
0x53: {  	_ =	shalt  }
0x54: {  	_ =	shalt  }
0x55: {  	_ =	shalt  }
0x56: {  	_ =	shalt  }
0x57: {  	_ =	shalt  }
0x58: {  	_ =	shalt  }
0x59: {  	_ =	shalt  }
0x5a: {  	_ =	shalt  }
0x5b: {  	_ =	shalt  }
0x5c: {  	_ =	shalt  }
0x5d: {  	_ =	shalt  }
0x5e: {  	_ =	shalt  }
0x5f: {  	_ =	shalt  }
0x60: {  	_ =	shalt  }
0x61: {  	_ =	shalt  }
0x62: {  	_ =	shalt  }
0x63: {  	_ =	shalt  }
0x64: {  	_ =	shalt  }
0x65: {  	_ =	shalt  }
0x66: {  	_ =	shalt  }
0x67: {  	_ =	shalt  }
0x68: {  	_ =	shalt  }
0x69: {  	_ =	shalt  }
0x6a: {  	_ =	shalt  }
0x6b: {  	_ =	shalt  }
0x6c: {  	_ =	shalt  }
0x6d: {  	_ =	shalt  }
0x6e: {  	_ =	shalt  }
0x6f: {  	_ =	shalt  }
0x70: {  	_ =	shalt  }
0x71: {  	_ =	shalt  }
0x72: {  	_ =	shalt  }
0x73: {  	_ =	shalt  }
0x74: {  	_ =	shalt  }
0x75: {  	_ =	shalt  }
0x76: {  	_ =	shalt  }
0x77: {  	_ =	shalt  }
0x78: {  	_ =	shalt  }
0x79: {  	_ =	shalt  }
0x7a: {  	_ =	shalt  }
0x7b: {  	_ =	shalt  }
0x7c: {  	_ =	shalt  }
0x7d: {  	_ =	shalt  }
0x7e: {  	_ =	shalt  }
0x7f: {  	_ =	shalt  }
0x80: {  	_ =	shalt  }
0x81: {  	_ =	shalt  }
0x82: {  	_ =	shalt  }
0x83: {  	_ =	shalt  }
0x84: {  	_ =	shalt  }
0x85: {  	_ =	shalt  }
0x86: {  	_ =	shalt  }
0x87: {  	_ =	shalt  }
.Lfunc_end0:
.L_simem_size_0:
called_computation_lowered:
.L_overlay_start_0:
0x88: {  	s2 =	sld [smem:$0x3FD9]  }
0x89: {  	s3 =	sld [smem:$0x3FFE];
	_ =	sdelay $0x1  }
0x8a: {  	s1 =	srdreg.scid  }
0x8b: {  	s0 =	sand.u32 $0x1, s1  }
0x8c: {  	s15 =	sshll.u32 s0, $0xA;
	s2 =	sadd.s32 s3, s2  }
0x8d: {  	s2 =	sadd.s32 s2, s15  }
0x8e: {  	[smem:$0x3FC6] =	sst s2  }
0x8f: {  	_ = 	snop  }
0x90: {  	s2 =	sld [smem:$0x3FD0];
	_ =	sdelay $0x2  }
0x91: {  	s4 =	simm.s32 $0xA;
	s5 =	simm.s32 $0x10;
	s16 =	sld [smem:$0x3FC8]  }
0x92: {  	[smem:s5], [sflag:s4] =	dma.local [hbm:s2], $0x1  }
0x93: {  	_ =	swait.eq [sflag:s4], $0x1  }
0x94: {  	[sflag:s4] =	ssyncset.done $0x0  }
0x95: {  	[sflag:s4] =	ssyncadd.s32 $0xFFFFFFFF  }
0x96: {  	s17 =	sld [smem:$0x11];
	(tm) =	ssettm $0x1  }
0x97: {  	s18 =	sld [smem:$0x3FFB];
	_ =	sdelay $0x3  }
0x98: {  	_ =	strace s18  }
0x99: {  	s4 =	sld [smem:$0x3FFC];
	_ =	sdelay $0x3  }
0x9a: {  	_ =	strace s4  }
0x9b: {  	s4 =	sld [smem:$0x3FFD];
	_ =	sdelay $0x3  }
0x9c: {  	_ =	strace s4  }
0x9d: {  	_ =	strace $0x8FFFFFFF  }
0x9e: {  	s19 =	sld [smem:$0x3FDB];
	_ =	sdelay $0x1  }
0x9f: {  	s20 =	simm.s32 $_scs_section_size  }
0xa0: {  	s6 =	simm.s32 $_size__tile_overlayer_lowered;
	s7 =	simm.s32 $_tile_overlayer_lowered  }
0xa1: {  	s23 =	simm.s32 $0x1BFF;
	s22 =	sshll.u32 s7, $0x1;
	s4 =	sadd.s32 s20, s19  }
0xa2: {  	s8 =	simm.s32 $0x0;
	s21 =	sshll.u32 s6, $0x1;
	s6 =	sadd.s32 s22, s4  }
0xa3: {  	[timem:s8], [sflag:s23] =	dma.local [hbm:s6], s21  }
0xa4: {  	_ =	swait.ge [sflag:s23], s21  }
0xa5: {  	s5 =	ssub.s32 $0x0, s21;
	[sflag:s23] =	ssyncset.done $0x0  }
0xa6: {  	[sflag:s23] =	ssyncadd.s32 s5;
	_ =	sdelay $0x1  }
0xa7: {  	s24 =	simm.s32 $0x1B8B  }
0xa8: {  	_ =	swait.ge [sflag:s24], $0x1  }
0xa9: {  	[sflag:s24] =	ssyncset.done $0x0  }
0xaa: {  	s25 =	simm.s32 $0x1B8E;
	[sflag:s24] =	ssyncadd.s32 $0xFFFFFFFF  }
0xab: {  	s26 =	simm.s32 $execute0_lowered;
	[smem:$0x3FD2] =	sst s25  }
0xac: {  	s5 =	sshll.u32 s26, $0x1;
	_ =	strace $0x80000046;
	[dreg:$0x1] =	wrdreg $0xFFFFFFFF  }
0xad: {  	s28 =	simm.s32 $_size_execute0_lowered;
	s4 =	sadd.s32 s4, s5;
	[dreg:$0x0] =	wrdreg $0x0  }
0xae: {  	s5 =	sshll.u32 s28, $0x1;
	[dreg:$0x2] =	wrdreg s4  }
0xaf: {  	[dreg:$0x3] =	wrdreg s5  }
0xb0: {  	[dreg:$0x4] =	wrdreg $0xC0  }
0xb1: {  	_ =	task [dreg:s8], $0x5FFFF  }
0xb2: {  	[dreg:$0x1] =	wrdreg $0xFFFFFFFF  }
0xb3: {  	[dreg:$0x0] =	wrdreg $0x60  }
0xb4: {  	[dreg:$0x2] =	wrdreg s16  }
0xb5: {  	[dreg:$0x3] =	wrdreg s17  }
0xb6: {  	[dreg:$0x4] =	wrdreg $0x9  }
0xb7: {  	_ =	task.clear_ibuf [dreg:s8], $0x5FFFF;
	_ =	strace $0x90000046  }
0xb8: {  	s29 =	simm.s32 $0x9;
	_ =	strace $0x80000048  }
0xb9: {  	_ =	swait.ge [sflag:s29], $0x1  }
0xba: {  	[sflag:s29] =	ssyncadd.s32 $0xFFFFFFFF  }
0xbb: {  	_ =	strace $0x90000048  }
0xbc: {  	_ =	sfence  }
0xbd: {  	s30 =	sld [smem:$0x0];
	_ =	sdelay $0x2  }
0xbe: {  	s31 =	sshll.u32 s1, $0xD;
	s1 =	sshrl.u32 s1, $0x2  }
0xbf: {  	s3 =	sand.u32 $0x4000, s31;
	s1 =	sadd.s32 s1, s30  }
0xc0: {  	s0 =	sor.u32 s3, s0;
	s1 =	sshll.u32 s1, $0x11  }
0xc1: {  	s0 =	sor.u32 s1, s0  }
0xc2: {  	s0 =	sadd.s32 $0x8F2B, s0  }
0xc3: {  	[sflag:s0] =	ssyncadd.remote.s32 $0x1  }
0xc4: {  	_ =	sfence.sel $0xFFFF  }
0xc5: {  	[dreg:$0x0] =	wrdreg $0xFFFFFFFF;
	(pc) =	sbr.abs _section_cstart, $3  }
0xc6: {  	[dreg:$0x1] =	wrdreg $0xFFFFFFFF  }
0xc7: {  	_ =	task.clear_ibuf [dreg:s8], $0x2FFFF;
	_ =	strace $0x9FFFFFFF  }
0xc8: {  	(tm) =	ssettm $0x7FFFFFFF  }
0xc9: {  	_ =	shalt  }
tec
execute0_lowered:
.L_overlay_start_1:
0x0: {  	(tag) =	ssettag $0x1  }
0x1: {  	s0 =	srdreg.scid;
	s23 =	stileid.u32  }
0x2: {  	s0 =	sand.u32 $0x1, s0;
	s2 =	sshll.u32 s23, $0x1  }
0x3: {  	s1 =	rddreg [dreg:$0x0];
	s4 =	sor.u32 s0, s2  }
0x4: {  	s3 =	rddreg [dreg:$0x1];
	s5 =	smul.u32 $0xC800, s4  }
0x5: {  	s24 =	rddreg [dreg:$0x2];
	s2 =	simm.s32 $0x0;
	s6 =	smul.u32 $0x1900, s4  }
0x6: {  	p1 =	por $0x0, $0x0;
	p0 =	sgt.u32 s23, $0x9;
	[smem:$0x7FF] =	sst s2  }
0x7: {  	_ =	strace $0x80000047;
	s5 =	sshrl.u32 s5, $0x3;
	s7 =	sadd.s32 s1, s6  }
0x8: {  	s6 =	sadd.s32 s3, s6;
	s8 =	sadd.s32 $0x32000, s5;
	[dreg:$0x3] =	wrdreg s7  }
0x9: {  	s26 =	sadd.s32 $0x64000, s5;
	[dreg:$0x5] =	wrdreg s6;
	s25 =	sadd.s32 s1, s8  }
0xa: {  	s0 =	ssub.s32 $0x2, s0;
	s28 =	sadd.s32 s1, s26;
	[dreg:$0x4] =	wrdreg s25  }
0xb: {  	s30 =	sadd.s32 $0x96000, s5;
	s29 =	sadd.s32 s3, s8;
	[dreg:$0x6] =	wrdreg s28  }
0xc: {  	s4 =	smin.u32 s4, $0x13;
	s31 =	sadd.s32 s1, s30;
	[dreg:$0x7] =	wrdreg s29  }
0xd: {  	s9 =	sadd.s32 $0xC8000, s5;
	s7 =	sadd.s32 s3, s26;
	[dreg:$0x8] =	wrdreg s31  }
0xe: {  	s4 =	smul.u32 $0x1900, s4;
	s10 =	sadd.s32 s1, s9;
	[dreg:$0x9] =	wrdreg s7  }
0xf: {  	s12 =	sadd.s32 $0xFA000, s5;
	s11 =	sadd.s32 s3, s30;
	[dreg:$0xa] =	wrdreg s10  }
0x10: {  	s15 =	sadd.s32 $0x12C000, s5;
	s13 =	sadd.s32 s1, s12;
	[dreg:$0xb] =	wrdreg s11  }
0x11: {  	s18 =	sadd.s32 $0x15E000, s5;
	s14 =	sadd.s32 s3, s9;
	[dreg:$0xc] =	wrdreg s13  }
0x12: {  	s21 =	sadd.s32 $0x190000, s5;
	s16 =	sadd.s32 s1, s15;
	[dreg:$0xd] =	wrdreg s14  }
0x13: {  	s17 =	sadd.s32 s3, s12;
	s19 =	sadd.s32 s1, s18;
	[dreg:$0xe] =	wrdreg s16  }
0x14: {  	s20 =	sadd.s32 s3, s15;
	s9 =	sshrl.u32 s0, $0x1;
	[dreg:$0xf] =	wrdreg s17  }
0x15: {  	s22 =	sadd.s32 s1, s21;
	s26 =	sadd.s32 $0x1C2000, s5;
	[dreg:$0x11] =	wrdreg s20  }
0x16: {  	s30 =	sadd.s32 $0x258000, s5;
	[dreg:$0x12] =	wrdreg s22;
	s0 =	ssub.s32 s0, s9  }
0x17: {  	s22 =	sadd.s32 s1, s26;
	s28 =	sadd.s32 $0x1F4000, s5;
	s29 =	sadd.s32 $0x226000, s5  }
0x18: {  	s13 =	sadd.s32 s1, s30;
	s31 =	sadd.s32 $0x28A000, s5;
	s5 =	sadd.s32 $0x2BC000, s5  }
0x19: {  	s11 =	sadd.s32 $0x2EE000, s4;
	s20 =	sadd.s32 s1, s28;
	s17 =	sadd.s32 s1, s29  }
0x1a: {  	s10 =	sadd.s32 s1, s31;
	s7 =	sadd.s32 s1, s5;
	s0 =	smax.u32 s0, $0x1  }
0x1b: {  	s4 =	sadd.s32 s3, s5;
	s5 =	sadd.s32 s1, s11;
	s1 =	sadd.s32 $0xFFFFFFFF, s0  }
0x1c: {  	s21 =	sadd.s32 s3, s21;
	[dreg:$0x10] =	wrdreg s19;
	p2 =	sne.s32 s1, $0x0  }
.Ltmp0:
0x1d: {  	s25 =	sadd.s32 s3, s18;
	s19 =	sadd.s32 s3, s26;
	(pc) =	sbr.rel @!p2 .LBB2_1-.Ltmp0, $4  }
0x1e: {  	s8 =	sadd.s32 s3, s30;
	s9 =	simm.s32 $0xC800;
	s18 =	simm.s32 $0x1  }
0x1f: {  	s16 =	simm.s32 $0x3;
	s14 =	simm.s32 $0x2;
	[dreg:$0x13] =	wrdreg s25  }
0x20: {  	s15 =	sadd.s32 s3, s28;
	s12 =	sadd.s32 s3, s29;
	s6 =	sadd.s32 s3, s31  }
0x21: {  	s3 =	sadd.s32 s3, s11;
	s11 =	simm.s32 $0x4;
	s0 =	rddreg [dreg:$0x3]  }
0x22: {  	[tilespmem:s2], [sflag:$0x1] =	stream.linear.gather [hbm4b:s0+s2], $0xC800, $0x38;
	[tilespmem:$0x19000] =	vst v63  }
0x23: {  	s23 =	rddreg [dreg:$0x4]  }
0x24: {  	[tilespmem:s9], [sflag:$0x2] =	stream.linear.gather [hbm4b:s23+s2], $0xC800, $0x38;
	[tilespmem:$0x19000] =	vst v63  }
0x25: {  	_ =	swait.ge [sflag:s18], $0xC800  }
0x26: {  	[sflag:s18] =	ssyncset.done $0x0  }
0x27: {  	s24 =	rddreg [dreg:$0x5];
	[sflag:s18] =	ssyncadd.s32 $0xFFFF3800  }
0x28: {  	[hbm4b:s24+s2] =	stream.linear.scatter [tilespmem:s2], [sflag:$0x3], $0xC800, $0x38;
	[tilespmem:$0x19000] =	vst v63  }
0x29: {  	_ =	swait.ge [sflag:s16], $0xC800  }
0x2a: {  	[sflag:s16] =	ssyncset.done $0x0  }
0x2b: {  	s25 =	rddreg [dreg:$0x6];
	[sflag:s16] =	ssyncadd.s32 $0xFFFF3800  }
0x2c: {  	[tilespmem:s2], [sflag:$0x1] =	stream.linear.gather [hbm4b:s25+s2], $0xC800, $0x38;
	[tilespmem:$0x19000] =	vst v63  }
0x2d: {  	_ =	swait.ge [sflag:s14], $0xC800  }
0x2e: {  	[sflag:s14] =	ssyncset.done $0x0  }
0x2f: {  	s26 =	rddreg [dreg:$0x7];
	[sflag:s14] =	ssyncadd.s32 $0xFFFF3800  }
0x30: {  	[hbm4b:s26+s2] =	stream.linear.scatter [tilespmem:s9], [sflag:$0x4], $0xC800, $0x38;
	[tilespmem:$0x19000] =	vst v63  }
0x31: {  	_ =	swait.ge [sflag:s11], $0xC800  }
0x32: {  	[sflag:s11] =	ssyncset.done $0x0  }
0x33: {  	s23 =	rddreg [dreg:$0x8];
	[sflag:s11] =	ssyncadd.s32 $0xFFFF3800  }
0x34: {  	[tilespmem:s9], [sflag:$0x2] =	stream.linear.gather [hbm4b:s23+s2], $0xC800, $0x38;
	[tilespmem:$0x19000] =	vst v63  }
0x35: {  	_ =	swait.ge [sflag:s18], $0xC800  }
0x36: {  	[sflag:s18] =	ssyncset.done $0x0  }
0x37: {  	s24 =	rddreg [dreg:$0x9];
	[sflag:s18] =	ssyncadd.s32 $0xFFFF3800  }
0x38: {  	[hbm4b:s24+s2] =	stream.linear.scatter [tilespmem:s2], [sflag:$0x3], $0xC800, $0x38;
	[tilespmem:$0x19000] =	vst v63  }
0x39: {  	_ =	swait.ge [sflag:s16], $0xC800  }
0x3a: {  	[sflag:s16] =	ssyncset.done $0x0  }
0x3b: {  	s25 =	rddreg [dreg:$0xa];
	[sflag:s16] =	ssyncadd.s32 $0xFFFF3800  }
0x3c: {  	[tilespmem:s2], [sflag:$0x1] =	stream.linear.gather [hbm4b:s25+s2], $0xC800, $0x38;
	[tilespmem:$0x19000] =	vst v63  }
0x3d: {  	_ =	swait.ge [sflag:s14], $0xC800  }
0x3e: {  	[sflag:s14] =	ssyncset.done $0x0  }
0x3f: {  	s26 =	rddreg [dreg:$0xb];
	[sflag:s14] =	ssyncadd.s32 $0xFFFF3800  }
0x40: {  	[hbm4b:s26+s2] =	stream.linear.scatter [tilespmem:s9], [sflag:$0x4], $0xC800, $0x38;
	[tilespmem:$0x19000] =	vst v63  }
0x41: {  	_ =	swait.ge [sflag:s11], $0xC800  }
0x42: {  	[sflag:s11] =	ssyncset.done $0x0  }
0x43: {  	s23 =	rddreg [dreg:$0xc];
	[sflag:s11] =	ssyncadd.s32 $0xFFFF3800  }
0x44: {  	[tilespmem:s9], [sflag:$0x2] =	stream.linear.gather [hbm4b:s23+s2], $0xC800, $0x38;
	[tilespmem:$0x19000] =	vst v63  }
0x45: {  	_ =	swait.ge [sflag:s18], $0xC800  }
0x46: {  	[sflag:s18] =	ssyncset.done $0x0  }
0x47: {  	s24 =	rddreg [dreg:$0xd];
	[sflag:s18] =	ssyncadd.s32 $0xFFFF3800  }
0x48: {  	[hbm4b:s24+s2] =	stream.linear.scatter [tilespmem:s2], [sflag:$0x3], $0xC800, $0x38;
	[tilespmem:$0x19000] =	vst v63  }
0x49: {  	_ =	swait.ge [sflag:s16], $0xC800  }
0x4a: {  	[sflag:s16] =	ssyncset.done $0x0  }
0x4b: {  	s25 =	rddreg [dreg:$0xe];
	[sflag:s16] =	ssyncadd.s32 $0xFFFF3800  }
0x4c: {  	[tilespmem:s2], [sflag:$0x1] =	stream.linear.gather [hbm4b:s25+s2], $0xC800, $0x38;
	[tilespmem:$0x19000] =	vst v63  }
0x4d: {  	_ =	swait.ge [sflag:s14], $0xC800  }
0x4e: {  	[sflag:s14] =	ssyncset.done $0x0  }
0x4f: {  	s26 =	rddreg [dreg:$0xf];
	[sflag:s14] =	ssyncadd.s32 $0xFFFF3800  }
0x50: {  	[hbm4b:s26+s2] =	stream.linear.scatter [tilespmem:s9], [sflag:$0x4], $0xC800, $0x38;
	[tilespmem:$0x19000] =	vst v63  }
0x51: {  	_ =	swait.ge [sflag:s11], $0xC800  }
0x52: {  	[sflag:s11] =	ssyncset.done $0x0  }
0x53: {  	s23 =	rddreg [dreg:$0x10];
	[sflag:s11] =	ssyncadd.s32 $0xFFFF3800  }
0x54: {  	[tilespmem:s9], [sflag:$0x2] =	stream.linear.gather [hbm4b:s23+s2], $0xC800, $0x38;
	[tilespmem:$0x19000] =	vst v63  }
0x55: {  	_ =	swait.ge [sflag:s18], $0xC800  }
0x56: {  	[sflag:s18] =	ssyncset.done $0x0  }
0x57: {  	s24 =	rddreg [dreg:$0x11];
	[sflag:s18] =	ssyncadd.s32 $0xFFFF3800  }
0x58: {  	[hbm4b:s24+s2] =	stream.linear.scatter [tilespmem:s2], [sflag:$0x3], $0xC800, $0x38;
	[tilespmem:$0x19000] =	vst v63  }
0x59: {  	_ =	swait.ge [sflag:s16], $0xC800  }
0x5a: {  	[sflag:s16] =	ssyncset.done $0x0  }
0x5b: {  	s25 =	rddreg [dreg:$0x12];
	[sflag:s16] =	ssyncadd.s32 $0xFFFF3800  }
0x5c: {  	[tilespmem:s2], [sflag:$0x1] =	stream.linear.gather [hbm4b:s25+s2], $0xC800, $0x38;
	[tilespmem:$0x19000] =	vst v63  }
0x5d: {  	_ =	swait.ge [sflag:s14], $0xC800  }
0x5e: {  	[sflag:s14] =	ssyncset.done $0x0  }
0x5f: {  	s26 =	rddreg [dreg:$0x13];
	[sflag:s14] =	ssyncadd.s32 $0xFFFF3800  }
0x60: {  	[hbm4b:s26+s2] =	stream.linear.scatter [tilespmem:s9], [sflag:$0x4], $0xC800, $0x38;
	[tilespmem:$0x19000] =	vst v63  }
0x61: {  	_ =	swait.ge [sflag:s11], $0xC800  }
0x62: {  	[sflag:s11] =	ssyncset.done $0x0  }
0x63: {  	[sflag:s11] =	ssyncadd.s32 $0xFFFF3800  }
0x64: {  	[tilespmem:s9], [sflag:$0x2] =	stream.linear.gather [hbm4b:s22+s2], $0xC800, $0x38;
	[tilespmem:$0x19000] =	vst v63  }
0x65: {  	_ =	swait.ge [sflag:s18], $0xC800  }
0x66: {  	[sflag:s18] =	ssyncset.done $0x0  }
0x67: {  	[sflag:s18] =	ssyncadd.s32 $0xFFFF3800  }
0x68: {  	[hbm4b:s21+s2] =	stream.linear.scatter [tilespmem:s2], [sflag:$0x3], $0xC800, $0x38;
	[tilespmem:$0x19000] =	vst v63  }
0x69: {  	_ =	swait.ge [sflag:s16], $0xC800  }
0x6a: {  	[sflag:s16] =	ssyncset.done $0x0  }
0x6b: {  	[sflag:s16] =	ssyncadd.s32 $0xFFFF3800  }
0x6c: {  	[tilespmem:s2], [sflag:$0x1] =	stream.linear.gather [hbm4b:s20+s2], $0xC800, $0x38;
	[tilespmem:$0x19000] =	vst v63  }
0x6d: {  	_ =	swait.ge [sflag:s14], $0xC800  }
0x6e: {  	[sflag:s14] =	ssyncset.done $0x0  }
0x6f: {  	[sflag:s14] =	ssyncadd.s32 $0xFFFF3800  }
0x70: {  	[hbm4b:s19+s2] =	stream.linear.scatter [tilespmem:s9], [sflag:$0x4], $0xC800, $0x38;
	[tilespmem:$0x19000] =	vst v63  }
0x71: {  	_ =	swait.ge [sflag:s11], $0xC800  }
0x72: {  	[sflag:s11] =	ssyncset.done $0x0  }
0x73: {  	[sflag:s11] =	ssyncadd.s32 $0xFFFF3800  }
0x74: {  	[tilespmem:s9], [sflag:$0x2] =	stream.linear.gather [hbm4b:s17+s2], $0xC800, $0x38;
	[tilespmem:$0x19000] =	vst v63  }
0x75: {  	_ =	swait.ge [sflag:s18], $0xC800  }
0x76: {  	[sflag:s18] =	ssyncset.done $0x0  }
0x77: {  	[sflag:s18] =	ssyncadd.s32 $0xFFFF3800  }
0x78: {  	[hbm4b:s15+s2] =	stream.linear.scatter [tilespmem:s2], [sflag:$0x3], $0xC800, $0x38;
	[tilespmem:$0x19000] =	vst v63  }
0x79: {  	_ =	swait.ge [sflag:s16], $0xC800  }
0x7a: {  	[sflag:s16] =	ssyncset.done $0x0  }
0x7b: {  	[sflag:s16] =	ssyncadd.s32 $0xFFFF3800  }
0x7c: {  	[tilespmem:s2], [sflag:$0x1] =	stream.linear.gather [hbm4b:s13+s2], $0xC800, $0x38;
	[tilespmem:$0x19000] =	vst v63  }
0x7d: {  	_ =	swait.ge [sflag:s14], $0xC800  }
0x7e: {  	[sflag:s14] =	ssyncset.done $0x0  }
0x7f: {  	[sflag:s14] =	ssyncadd.s32 $0xFFFF3800  }
0x80: {  	[hbm4b:s12+s2] =	stream.linear.scatter [tilespmem:s9], [sflag:$0x4], $0xC800, $0x38;
	[tilespmem:$0x19000] =	vst v63  }
0x81: {  	_ =	swait.ge [sflag:s11], $0xC800  }
0x82: {  	[sflag:s11] =	ssyncset.done $0x0  }
0x83: {  	[sflag:s11] =	ssyncadd.s32 $0xFFFF3800  }
0x84: {  	[tilespmem:s9], [sflag:$0x2] =	stream.linear.gather [hbm4b:s10+s2], $0xC800, $0x38;
	[tilespmem:$0x19000] =	vst v63  }
0x85: {  	_ =	swait.ge [sflag:s18], $0xC800  }
0x86: {  	[sflag:s18] =	ssyncset.done $0x0  }
0x87: {  	[sflag:s18] =	ssyncadd.s32 $0xFFFF3800  }
0x88: {  	[hbm4b:s8+s2] =	stream.linear.scatter [tilespmem:s2], [sflag:$0x3], $0xC800, $0x38;
	[tilespmem:$0x19000] =	vst v63  }
0x89: {  	_ =	swait.ge [sflag:s16], $0xC800  }
0x8a: {  	[sflag:s16] =	ssyncset.done $0x0  }
0x8b: {  	[sflag:s16] =	ssyncadd.s32 $0xFFFF3800  }
0x8c: {  	[tilespmem:s2], [sflag:$0x1] =	stream.linear.gather [hbm4b:s7+s2], $0xC800, $0x38;
	[tilespmem:$0x19000] =	vst v63  }
0x8d: {  	_ =	swait.ge [sflag:s14], $0xC800  }
0x8e: {  	[sflag:s14] =	ssyncset.done $0x0  }
0x8f: {  	[sflag:s14] =	ssyncadd.s32 $0xFFFF3800  }
0x90: {  	[hbm4b:s6+s2] =	stream.linear.scatter [tilespmem:s9], [sflag:$0x4], $0xC800, $0x38;
	[tilespmem:$0x19000] =	vst v63  }
0x91: {  	_ =	swait.ge [sflag:s11], $0xC800  }
0x92: {  	[sflag:s11] =	ssyncset.done $0x0  }
0x93: {  	s23 =	simm.s32 @p0 $0x1;
	[sflag:s11] =	ssyncadd.s32 $0xFFFF3800  }
0x94: {  	_ =	swait.ge @p0 [sflag:s23], $0xC800  }
0x95: {  	[sflag:s23] =	ssyncset.done @p0 $0x0  }
0x96: {  	s0 =	simm.s32 @p0 $0x0;
	[sflag:s23] =	ssyncadd.s32 @p0 $0xFFFF3800  }
0x97: {  	[hbm4b:s4+s0] =	stream.linear.scatter @p0 [tilespmem:s0], [sflag:$0x3], $0xC800, $0x38;
	[tilespmem:$0x19000] =	vst v63  }
0x98: {  	s28 =	simm.s32 @!p0 $0x1;
	s25 =	simm.s32 @!p0 $0x0;
	s26 =	simm.s32 @!p0 $0xC800  }
0x99: {  	[tilespmem:s26], [sflag:$0x2] =	stream.linear.gather @!p0 [hbm4b:s5+s25], $0xC800, $0x38;
	[tilespmem:$0x19000] =	vst v63  }
0x9a: {  	_ =	swait.ge @!p0 [sflag:s28], $0xC800  }
0x9b: {  	[sflag:s28] =	ssyncset.done @!p0 $0x0  }
0x9c: {  	s29 =	simm.s32 @!p0 $0x2;
	[sflag:s28] =	ssyncadd.s32 @!p0 $0xFFFF3800  }
0x9d: {  	[hbm4b:s4+s25] =	stream.linear.scatter @!p0 [tilespmem:s25], [sflag:$0x3], $0xC800, $0x38;
	[tilespmem:$0x19000] =	vst v63  }
0x9e: {  	_ =	swait.ge @!p0 [sflag:s29], $0xC800  }
0x9f: {  	s1 =	sadd.s32 $0xFFFFFFFF, s1;
	[sflag:s29] =	ssyncset.done @!p0 $0x0  }
0xa0: {  	s31 =	simm.s32 @!p0 $0x3;
	p2 =	sne.s32 s1, $0x0;
	[sflag:s29] =	ssyncadd.s32 @!p0 $0xFFFF3800  }
0xa1: {  	[hbm4b:s3+s25] =	stream.linear.scatter @!p0 [tilespmem:s26], [sflag:$0x4], $0xC800, $0x38;
	[tilespmem:$0x19000] =	vst v63  }
.Ltmp1:
0xa2: {  	_ =	swait.ge @!p0 [sflag:s31], $0xC800;
	(pc) =	sbr.rel @!p2 .LBB2_3-.Ltmp1, $4  }
0xa3: {  	s30 =	simm.s32 @!p0 $0x4;
	[sflag:s31] =	ssyncset.done @!p0 $0x0  }
0xa4: {  	s30 =	simm.s32 @p0 $0x3;
	[sflag:s31] =	ssyncadd.s32 @!p0 $0xFFFF3800  }
0xa5: {  	_ =	swait.ge [sflag:s30], $0xC800  }
0xa6: {  	p1 =	por $0x1, $0x1;
	s0 =	rddreg [dreg:$0x3];
	[sflag:s30] =	ssyncset.done $0x0  }
.LBB2_4:
0xa7: {  	[sflag:s30] =	ssyncadd.s32 $0xFFFF3800  }
0xa8: {  	[tilespmem:s2], [sflag:$0x1] =	stream.linear.gather [hbm4b:s0+s2], $0xC800, $0x38;
	[tilespmem:$0x19000] =	vst v63  }
0xa9: {  	s24 =	rddreg [dreg:$0x4]  }
0xaa: {  	[tilespmem:s9], [sflag:$0x2] =	stream.linear.gather [hbm4b:s24+s2], $0xC800, $0x38;
	[tilespmem:$0x19000] =	vst v63  }
0xab: {  	_ =	swait.ge [sflag:s18], $0xC800  }
0xac: {  	[sflag:s18] =	ssyncset.done $0x0  }
0xad: {  	s24 =	rddreg [dreg:$0x5];
	[sflag:s18] =	ssyncadd.s32 $0xFFFF3800  }
0xae: {  	[hbm4b:s24+s2] =	stream.linear.scatter [tilespmem:s2], [sflag:$0x3], $0xC800, $0x38;
	[tilespmem:$0x19000] =	vst v63  }
0xaf: {  	_ =	swait.ge [sflag:s16], $0xC800  }
0xb0: {  	[sflag:s16] =	ssyncset.done $0x0  }
0xb1: {  	s24 =	rddreg [dreg:$0x6];
	[sflag:s16] =	ssyncadd.s32 $0xFFFF3800  }
0xb2: {  	[tilespmem:s2], [sflag:$0x1] =	stream.linear.gather [hbm4b:s24+s2], $0xC800, $0x38;
	[tilespmem:$0x19000] =	vst v63  }
0xb3: {  	_ =	swait.ge [sflag:s14], $0xC800  }
0xb4: {  	[sflag:s14] =	ssyncset.done $0x0  }
0xb5: {  	s24 =	rddreg [dreg:$0x7];
	[sflag:s14] =	ssyncadd.s32 $0xFFFF3800  }
0xb6: {  	[hbm4b:s24+s2] =	stream.linear.scatter [tilespmem:s9], [sflag:$0x4], $0xC800, $0x38;
	[tilespmem:$0x19000] =	vst v63  }
0xb7: {  	_ =	swait.ge [sflag:s11], $0xC800  }
0xb8: {  	[sflag:s11] =	ssyncset.done $0x0  }
0xb9: {  	s24 =	rddreg [dreg:$0x8];
	[sflag:s11] =	ssyncadd.s32 $0xFFFF3800  }
0xba: {  	[tilespmem:s9], [sflag:$0x2] =	stream.linear.gather [hbm4b:s24+s2], $0xC800, $0x38;
	[tilespmem:$0x19000] =	vst v63  }
0xbb: {  	_ =	swait.ge [sflag:s18], $0xC800  }
0xbc: {  	[sflag:s18] =	ssyncset.done $0x0  }
0xbd: {  	s24 =	rddreg [dreg:$0x9];
	[sflag:s18] =	ssyncadd.s32 $0xFFFF3800  }
0xbe: {  	[hbm4b:s24+s2] =	stream.linear.scatter [tilespmem:s2], [sflag:$0x3], $0xC800, $0x38;
	[tilespmem:$0x19000] =	vst v63  }
0xbf: {  	_ =	swait.ge [sflag:s16], $0xC800  }
0xc0: {  	[sflag:s16] =	ssyncset.done $0x0  }
0xc1: {  	s24 =	rddreg [dreg:$0xa];
	[sflag:s16] =	ssyncadd.s32 $0xFFFF3800  }
0xc2: {  	[tilespmem:s2], [sflag:$0x1] =	stream.linear.gather [hbm4b:s24+s2], $0xC800, $0x38;
	[tilespmem:$0x19000] =	vst v63  }
0xc3: {  	_ =	swait.ge [sflag:s14], $0xC800  }
0xc4: {  	[sflag:s14] =	ssyncset.done $0x0  }
0xc5: {  	s24 =	rddreg [dreg:$0xb];
	[sflag:s14] =	ssyncadd.s32 $0xFFFF3800  }
0xc6: {  	[hbm4b:s24+s2] =	stream.linear.scatter [tilespmem:s9], [sflag:$0x4], $0xC800, $0x38;
	[tilespmem:$0x19000] =	vst v63  }
0xc7: {  	_ =	swait.ge [sflag:s11], $0xC800  }
0xc8: {  	[sflag:s11] =	ssyncset.done $0x0  }
0xc9: {  	s24 =	rddreg [dreg:$0xc];
	[sflag:s11] =	ssyncadd.s32 $0xFFFF3800  }
0xca: {  	[tilespmem:s9], [sflag:$0x2] =	stream.linear.gather [hbm4b:s24+s2], $0xC800, $0x38;
	[tilespmem:$0x19000] =	vst v63  }
0xcb: {  	_ =	swait.ge [sflag:s18], $0xC800  }
0xcc: {  	[sflag:s18] =	ssyncset.done $0x0  }
0xcd: {  	s24 =	rddreg [dreg:$0xd];
	[sflag:s18] =	ssyncadd.s32 $0xFFFF3800  }
0xce: {  	[hbm4b:s24+s2] =	stream.linear.scatter [tilespmem:s2], [sflag:$0x3], $0xC800, $0x38;
	[tilespmem:$0x19000] =	vst v63  }
0xcf: {  	_ =	swait.ge [sflag:s16], $0xC800  }
0xd0: {  	[sflag:s16] =	ssyncset.done $0x0  }
0xd1: {  	s24 =	rddreg [dreg:$0xe];
	[sflag:s16] =	ssyncadd.s32 $0xFFFF3800  }
0xd2: {  	[tilespmem:s2], [sflag:$0x1] =	stream.linear.gather [hbm4b:s24+s2], $0xC800, $0x38;
	[tilespmem:$0x19000] =	vst v63  }
0xd3: {  	_ =	swait.ge [sflag:s14], $0xC800  }
0xd4: {  	[sflag:s14] =	ssyncset.done $0x0  }
0xd5: {  	s24 =	rddreg [dreg:$0xf];
	[sflag:s14] =	ssyncadd.s32 $0xFFFF3800  }
0xd6: {  	[hbm4b:s24+s2] =	stream.linear.scatter [tilespmem:s9], [sflag:$0x4], $0xC800, $0x38;
	[tilespmem:$0x19000] =	vst v63  }
0xd7: {  	_ =	swait.ge [sflag:s11], $0xC800  }
0xd8: {  	[sflag:s11] =	ssyncset.done $0x0  }
0xd9: {  	s24 =	rddreg [dreg:$0x10];
	[sflag:s11] =	ssyncadd.s32 $0xFFFF3800  }
0xda: {  	[tilespmem:s9], [sflag:$0x2] =	stream.linear.gather [hbm4b:s24+s2], $0xC800, $0x38;
	[tilespmem:$0x19000] =	vst v63  }
0xdb: {  	_ =	swait.ge [sflag:s18], $0xC800  }
0xdc: {  	[sflag:s18] =	ssyncset.done $0x0  }
0xdd: {  	s24 =	rddreg [dreg:$0x11];
	[sflag:s18] =	ssyncadd.s32 $0xFFFF3800  }
0xde: {  	[hbm4b:s24+s2] =	stream.linear.scatter [tilespmem:s2], [sflag:$0x3], $0xC800, $0x38;
	[tilespmem:$0x19000] =	vst v63  }
0xdf: {  	_ =	swait.ge [sflag:s16], $0xC800  }
0xe0: {  	[sflag:s16] =	ssyncset.done $0x0  }
0xe1: {  	s24 =	rddreg [dreg:$0x12];
	[sflag:s16] =	ssyncadd.s32 $0xFFFF3800  }
0xe2: {  	[tilespmem:s2], [sflag:$0x1] =	stream.linear.gather [hbm4b:s24+s2], $0xC800, $0x38;
	[tilespmem:$0x19000] =	vst v63  }
0xe3: {  	_ =	swait.ge [sflag:s14], $0xC800  }
0xe4: {  	[sflag:s14] =	ssyncset.done $0x0  }
0xe5: {  	s24 =	rddreg [dreg:$0x13];
	[sflag:s14] =	ssyncadd.s32 $0xFFFF3800  }
0xe6: {  	[hbm4b:s24+s2] =	stream.linear.scatter [tilespmem:s9], [sflag:$0x4], $0xC800, $0x38;
	[tilespmem:$0x19000] =	vst v63  }
0xe7: {  	_ =	swait.ge [sflag:s11], $0xC800  }
0xe8: {  	[sflag:s11] =	ssyncset.done $0x0  }
0xe9: {  	[sflag:s11] =	ssyncadd.s32 $0xFFFF3800  }
0xea: {  	[tilespmem:s9], [sflag:$0x2] =	stream.linear.gather [hbm4b:s22+s2], $0xC800, $0x38;
	[tilespmem:$0x19000] =	vst v63  }
0xeb: {  	_ =	swait.ge [sflag:s18], $0xC800  }
0xec: {  	[sflag:s18] =	ssyncset.done $0x0  }
0xed: {  	[sflag:s18] =	ssyncadd.s32 $0xFFFF3800  }
0xee: {  	[hbm4b:s21+s2] =	stream.linear.scatter [tilespmem:s2], [sflag:$0x3], $0xC800, $0x38;
	[tilespmem:$0x19000] =	vst v63  }
0xef: {  	_ =	swait.ge [sflag:s16], $0xC800  }
0xf0: {  	[sflag:s16] =	ssyncset.done $0x0  }
0xf1: {  	[sflag:s16] =	ssyncadd.s32 $0xFFFF3800  }
0xf2: {  	[tilespmem:s2], [sflag:$0x1] =	stream.linear.gather [hbm4b:s20+s2], $0xC800, $0x38;
	[tilespmem:$0x19000] =	vst v63  }
0xf3: {  	_ =	swait.ge [sflag:s14], $0xC800  }
0xf4: {  	[sflag:s14] =	ssyncset.done $0x0  }
0xf5: {  	[sflag:s14] =	ssyncadd.s32 $0xFFFF3800  }
0xf6: {  	[hbm4b:s19+s2] =	stream.linear.scatter [tilespmem:s9], [sflag:$0x4], $0xC800, $0x38;
	[tilespmem:$0x19000] =	vst v63  }
0xf7: {  	_ =	swait.ge [sflag:s11], $0xC800  }
0xf8: {  	[sflag:s11] =	ssyncset.done $0x0  }
0xf9: {  	[sflag:s11] =	ssyncadd.s32 $0xFFFF3800  }
0xfa: {  	[tilespmem:s9], [sflag:$0x2] =	stream.linear.gather [hbm4b:s17+s2], $0xC800, $0x38;
	[tilespmem:$0x19000] =	vst v63  }
0xfb: {  	_ =	swait.ge [sflag:s18], $0xC800  }
0xfc: {  	[sflag:s18] =	ssyncset.done $0x0  }
0xfd: {  	[sflag:s18] =	ssyncadd.s32 $0xFFFF3800  }
0xfe: {  	[hbm4b:s15+s2] =	stream.linear.scatter [tilespmem:s2], [sflag:$0x3], $0xC800, $0x38;
	[tilespmem:$0x19000] =	vst v63  }
0xff: {  	_ =	swait.ge [sflag:s16], $0xC800  }
0x100: {  	[sflag:s16] =	ssyncset.done $0x0  }
0x101: {  	[sflag:s16] =	ssyncadd.s32 $0xFFFF3800  }
0x102: {  	[tilespmem:s2], [sflag:$0x1] =	stream.linear.gather [hbm4b:s13+s2], $0xC800, $0x38;
	[tilespmem:$0x19000] =	vst v63  }
0x103: {  	_ =	swait.ge [sflag:s14], $0xC800  }
0x104: {  	[sflag:s14] =	ssyncset.done $0x0  }
0x105: {  	[sflag:s14] =	ssyncadd.s32 $0xFFFF3800  }
0x106: {  	[hbm4b:s12+s2] =	stream.linear.scatter [tilespmem:s9], [sflag:$0x4], $0xC800, $0x38;
	[tilespmem:$0x19000] =	vst v63  }
0x107: {  	_ =	swait.ge [sflag:s11], $0xC800  }
0x108: {  	[sflag:s11] =	ssyncset.done $0x0  }
0x109: {  	[sflag:s11] =	ssyncadd.s32 $0xFFFF3800  }
0x10a: {  	[tilespmem:s9], [sflag:$0x2] =	stream.linear.gather [hbm4b:s10+s2], $0xC800, $0x38;
	[tilespmem:$0x19000] =	vst v63  }
0x10b: {  	_ =	swait.ge [sflag:s18], $0xC800  }
0x10c: {  	[sflag:s18] =	ssyncset.done $0x0  }
0x10d: {  	[sflag:s18] =	ssyncadd.s32 $0xFFFF3800  }
0x10e: {  	[hbm4b:s8+s2] =	stream.linear.scatter [tilespmem:s2], [sflag:$0x3], $0xC800, $0x38;
	[tilespmem:$0x19000] =	vst v63  }
0x10f: {  	_ =	swait.ge [sflag:s16], $0xC800  }
0x110: {  	[sflag:s16] =	ssyncset.done $0x0  }
0x111: {  	[sflag:s16] =	ssyncadd.s32 $0xFFFF3800  }
0x112: {  	[tilespmem:s2], [sflag:$0x1] =	stream.linear.gather [hbm4b:s7+s2], $0xC800, $0x38;
	[tilespmem:$0x19000] =	vst v63  }
0x113: {  	_ =	swait.ge [sflag:s14], $0xC800  }
0x114: {  	[sflag:s14] =	ssyncset.done $0x0  }
0x115: {  	[sflag:s14] =	ssyncadd.s32 $0xFFFF3800  }
0x116: {  	[hbm4b:s6+s2] =	stream.linear.scatter [tilespmem:s9], [sflag:$0x4], $0xC800, $0x38;
	[tilespmem:$0x19000] =	vst v63  }
0x117: {  	_ =	swait.ge [sflag:s11], $0xC800  }
0x118: {  	[sflag:s11] =	ssyncset.done $0x0  }
0x119: {  	[sflag:s11] =	ssyncadd.s32 $0xFFFF3800  }
0x11a: {  	_ =	swait.ge @p0 [sflag:s23], $0xC800  }
0x11b: {  	[sflag:s23] =	ssyncset.done @p0 $0x0  }
0x11c: {  	s0 =	simm.s32 @p0 $0x0;
	[sflag:s23] =	ssyncadd.s32 @p0 $0xFFFF3800  }
0x11d: {  	[hbm4b:s4+s0] =	stream.linear.scatter @p0 [tilespmem:s0], [sflag:$0x3], $0xC800, $0x38;
	[tilespmem:$0x19000] =	vst v63  }
0x11e: {  	_ = 	snop  }
0x11f: {  	[tilespmem:s26], [sflag:$0x2] =	stream.linear.gather @!p0 [hbm4b:s5+s25], $0xC800, $0x38;
	[tilespmem:$0x19000] =	vst v63  }
0x120: {  	_ =	swait.ge @!p0 [sflag:s28], $0xC800  }
0x121: {  	[sflag:s28] =	ssyncset.done @!p0 $0x0  }
0x122: {  	[sflag:s28] =	ssyncadd.s32 @!p0 $0xFFFF3800  }
0x123: {  	[hbm4b:s4+s25] =	stream.linear.scatter @!p0 [tilespmem:s25], [sflag:$0x3], $0xC800, $0x38;
	[tilespmem:$0x19000] =	vst v63  }
0x124: {  	_ =	swait.ge @!p0 [sflag:s29], $0xC800  }
0x125: {  	s1 =	sadd.s32 $0xFFFFFFFF, s1;
	[sflag:s29] =	ssyncset.done @!p0 $0x0  }
0x126: {  	p2 =	sne.s32 s1, $0x0;
	[sflag:s29] =	ssyncadd.s32 @!p0 $0xFFFF3800  }
0x127: {  	[hbm4b:s3+s25] =	stream.linear.scatter @!p0 [tilespmem:s26], [sflag:$0x4], $0xC800, $0x38;
	[tilespmem:$0x19000] =	vst v63  }
.Ltmp2:
0x128: {  	_ =	swait.ge @!p0 [sflag:s31], $0xC800;
	(pc) =	sbr.rel @p2 .LBB2_4-.Ltmp2, $4  }
0x129: {  	[sflag:s31] =	ssyncset.done @!p0 $0x0  }
0x12a: {  	[sflag:s31] =	ssyncadd.s32 @!p0 $0xFFFF3800  }
0x12b: {  	_ =	swait.ge [sflag:s30], $0xC800  }
0x12c: {  	s0 =	rddreg [dreg:$0x3];
	[sflag:s30] =	ssyncset.done $0x0  }
0x12d: {  	s23 =	stileid.u32;
	s24 =	rddreg [dreg:$0x2]  }
.LBB2_6:
0x12e: {  	[sflag:s30] =	ssyncadd.s32 @p1 $0xFFFF3800  }
0x12f: {  	[tilespmem:s2], [sflag:$0x1] =	stream.linear.gather [hbm4b:s0+s2], $0xC800, $0x38;
	[tilespmem:$0x19000] =	vst v63  }
0x130: {  	s1 =	rddreg [dreg:$0x4]  }
0x131: {  	[tilespmem:s9], [sflag:$0x2] =	stream.linear.gather [hbm4b:s1+s2], $0xC800, $0x38;
	[tilespmem:$0x19000] =	vst v63  }
0x132: {  	_ =	swait.ge [sflag:s18], $0xC800  }
0x133: {  	[sflag:s18] =	ssyncset.done $0x0  }
0x134: {  	s31 =	rddreg [dreg:$0x5];
	[sflag:s18] =	ssyncadd.s32 $0xFFFF3800  }
0x135: {  	[hbm4b:s31+s2] =	stream.linear.scatter [tilespmem:s2], [sflag:$0x3], $0xC800, $0x38;
	[tilespmem:$0x19000] =	vst v63  }
0x136: {  	_ =	swait.ge [sflag:s16], $0xC800  }
0x137: {  	[sflag:s16] =	ssyncset.done $0x0  }
0x138: {  	s1 =	rddreg [dreg:$0x6];
	[sflag:s16] =	ssyncadd.s32 $0xFFFF3800  }
0x139: {  	[tilespmem:s2], [sflag:$0x1] =	stream.linear.gather [hbm4b:s1+s2], $0xC800, $0x38;
	[tilespmem:$0x19000] =	vst v63  }
0x13a: {  	_ =	swait.ge [sflag:s14], $0xC800  }
0x13b: {  	[sflag:s14] =	ssyncset.done $0x0  }
0x13c: {  	s25 =	rddreg [dreg:$0x7];
	[sflag:s14] =	ssyncadd.s32 $0xFFFF3800  }
0x13d: {  	[hbm4b:s25+s2] =	stream.linear.scatter [tilespmem:s9], [sflag:$0x4], $0xC800, $0x38;
	[tilespmem:$0x19000] =	vst v63  }
0x13e: {  	_ =	swait.ge [sflag:s11], $0xC800  }
0x13f: {  	[sflag:s11] =	ssyncset.done $0x0  }
0x140: {  	s26 =	rddreg [dreg:$0x8];
	[sflag:s11] =	ssyncadd.s32 $0xFFFF3800  }
0x141: {  	[tilespmem:s9], [sflag:$0x2] =	stream.linear.gather [hbm4b:s26+s2], $0xC800, $0x38;
	[tilespmem:$0x19000] =	vst v63  }
0x142: {  	_ =	swait.ge [sflag:s18], $0xC800  }
0x143: {  	[sflag:s18] =	ssyncset.done $0x0  }
0x144: {  	s28 =	rddreg [dreg:$0x9];
	[sflag:s18] =	ssyncadd.s32 $0xFFFF3800  }
0x145: {  	[hbm4b:s28+s2] =	stream.linear.scatter [tilespmem:s2], [sflag:$0x3], $0xC800, $0x38;
	[tilespmem:$0x19000] =	vst v63  }
0x146: {  	_ =	swait.ge [sflag:s16], $0xC800  }
0x147: {  	[sflag:s16] =	ssyncset.done $0x0  }
0x148: {  	s29 =	rddreg [dreg:$0xa];
	[sflag:s16] =	ssyncadd.s32 $0xFFFF3800  }
0x149: {  	[tilespmem:s2], [sflag:$0x1] =	stream.linear.gather [hbm4b:s29+s2], $0xC800, $0x38;
	[tilespmem:$0x19000] =	vst v63  }
0x14a: {  	_ =	swait.ge [sflag:s14], $0xC800  }
0x14b: {  	[sflag:s14] =	ssyncset.done $0x0  }
0x14c: {  	s30 =	rddreg [dreg:$0xb];
	[sflag:s14] =	ssyncadd.s32 $0xFFFF3800  }
0x14d: {  	[hbm4b:s30+s2] =	stream.linear.scatter [tilespmem:s9], [sflag:$0x4], $0xC800, $0x38;
	[tilespmem:$0x19000] =	vst v63  }
0x14e: {  	_ =	swait.ge [sflag:s11], $0xC800  }
0x14f: {  	[sflag:s11] =	ssyncset.done $0x0  }
0x150: {  	s31 =	rddreg [dreg:$0xc];
	[sflag:s11] =	ssyncadd.s32 $0xFFFF3800  }
0x151: {  	[tilespmem:s9], [sflag:$0x2] =	stream.linear.gather [hbm4b:s31+s2], $0xC800, $0x38;
	[tilespmem:$0x19000] =	vst v63  }
0x152: {  	_ =	swait.ge [sflag:s18], $0xC800  }
0x153: {  	[sflag:s18] =	ssyncset.done $0x0  }
0x154: {  	s1 =	rddreg [dreg:$0xd];
	[sflag:s18] =	ssyncadd.s32 $0xFFFF3800  }
0x155: {  	[hbm4b:s1+s2] =	stream.linear.scatter [tilespmem:s2], [sflag:$0x3], $0xC800, $0x38;
	[tilespmem:$0x19000] =	vst v63  }
0x156: {  	_ =	swait.ge [sflag:s16], $0xC800  }
0x157: {  	[sflag:s16] =	ssyncset.done $0x0  }
0x158: {  	s25 =	rddreg [dreg:$0xe];
	[sflag:s16] =	ssyncadd.s32 $0xFFFF3800  }
0x159: {  	[tilespmem:s2], [sflag:$0x1] =	stream.linear.gather [hbm4b:s25+s2], $0xC800, $0x38;
	[tilespmem:$0x19000] =	vst v63  }
0x15a: {  	_ =	swait.ge [sflag:s14], $0xC800  }
0x15b: {  	[sflag:s14] =	ssyncset.done $0x0  }
0x15c: {  	s26 =	rddreg [dreg:$0xf];
	[sflag:s14] =	ssyncadd.s32 $0xFFFF3800  }
0x15d: {  	[hbm4b:s26+s2] =	stream.linear.scatter [tilespmem:s9], [sflag:$0x4], $0xC800, $0x38;
	[tilespmem:$0x19000] =	vst v63  }
0x15e: {  	_ =	swait.ge [sflag:s11], $0xC800  }
0x15f: {  	[sflag:s11] =	ssyncset.done $0x0  }
0x160: {  	s28 =	rddreg [dreg:$0x10];
	[sflag:s11] =	ssyncadd.s32 $0xFFFF3800  }
0x161: {  	[tilespmem:s9], [sflag:$0x2] =	stream.linear.gather [hbm4b:s28+s2], $0xC800, $0x38;
	[tilespmem:$0x19000] =	vst v63  }
0x162: {  	_ =	swait.ge [sflag:s18], $0xC800  }
0x163: {  	[sflag:s18] =	ssyncset.done $0x0  }
0x164: {  	s29 =	rddreg [dreg:$0x11];
	[sflag:s18] =	ssyncadd.s32 $0xFFFF3800  }
0x165: {  	[hbm4b:s29+s2] =	stream.linear.scatter [tilespmem:s2], [sflag:$0x3], $0xC800, $0x38;
	[tilespmem:$0x19000] =	vst v63  }
0x166: {  	_ =	swait.ge [sflag:s16], $0xC800  }
0x167: {  	[sflag:s16] =	ssyncset.done $0x0  }
0x168: {  	s30 =	rddreg [dreg:$0x12];
	[sflag:s16] =	ssyncadd.s32 $0xFFFF3800  }
0x169: {  	[tilespmem:s2], [sflag:$0x1] =	stream.linear.gather [hbm4b:s30+s2], $0xC800, $0x38;
	[tilespmem:$0x19000] =	vst v63  }
0x16a: {  	_ =	swait.ge [sflag:s14], $0xC800  }
0x16b: {  	[sflag:s14] =	ssyncset.done $0x0  }
0x16c: {  	s31 =	rddreg [dreg:$0x13];
	[sflag:s14] =	ssyncadd.s32 $0xFFFF3800  }
0x16d: {  	[hbm4b:s31+s2] =	stream.linear.scatter [tilespmem:s9], [sflag:$0x4], $0xC800, $0x38;
	[tilespmem:$0x19000] =	vst v63  }
0x16e: {  	_ =	swait.ge [sflag:s11], $0xC800  }
0x16f: {  	[sflag:s11] =	ssyncset.done $0x0  }
0x170: {  	[sflag:s11] =	ssyncadd.s32 $0xFFFF3800  }
0x171: {  	[tilespmem:s9], [sflag:$0x2] =	stream.linear.gather [hbm4b:s22+s2], $0xC800, $0x38;
	[tilespmem:$0x19000] =	vst v63  }
0x172: {  	_ =	swait.ge [sflag:s18], $0xC800  }
0x173: {  	[sflag:s18] =	ssyncset.done $0x0  }
0x174: {  	[sflag:s18] =	ssyncadd.s32 $0xFFFF3800  }
0x175: {  	[hbm4b:s21+s2] =	stream.linear.scatter [tilespmem:s2], [sflag:$0x3], $0xC800, $0x38;
	[tilespmem:$0x19000] =	vst v63  }
0x176: {  	_ =	swait.ge [sflag:s16], $0xC800  }
0x177: {  	[sflag:s16] =	ssyncset.done $0x0  }
0x178: {  	[sflag:s16] =	ssyncadd.s32 $0xFFFF3800  }
0x179: {  	[tilespmem:s2], [sflag:$0x1] =	stream.linear.gather [hbm4b:s20+s2], $0xC800, $0x38;
	[tilespmem:$0x19000] =	vst v63  }
0x17a: {  	_ =	swait.ge [sflag:s14], $0xC800  }
0x17b: {  	[sflag:s14] =	ssyncset.done $0x0  }
0x17c: {  	[sflag:s14] =	ssyncadd.s32 $0xFFFF3800  }
0x17d: {  	[hbm4b:s19+s2] =	stream.linear.scatter [tilespmem:s9], [sflag:$0x4], $0xC800, $0x38;
	[tilespmem:$0x19000] =	vst v63  }
0x17e: {  	_ =	swait.ge [sflag:s11], $0xC800  }
0x17f: {  	[sflag:s11] =	ssyncset.done $0x0  }
0x180: {  	[sflag:s11] =	ssyncadd.s32 $0xFFFF3800  }
0x181: {  	[tilespmem:s9], [sflag:$0x2] =	stream.linear.gather [hbm4b:s17+s2], $0xC800, $0x38;
	[tilespmem:$0x19000] =	vst v63  }
0x182: {  	_ =	swait.ge [sflag:s18], $0xC800  }
0x183: {  	[sflag:s18] =	ssyncset.done $0x0  }
0x184: {  	[sflag:s18] =	ssyncadd.s32 $0xFFFF3800  }
0x185: {  	[hbm4b:s15+s2] =	stream.linear.scatter [tilespmem:s2], [sflag:$0x3], $0xC800, $0x38;
	[tilespmem:$0x19000] =	vst v63  }
0x186: {  	_ =	swait.ge [sflag:s16], $0xC800  }
0x187: {  	[sflag:s16] =	ssyncset.done $0x0  }
0x188: {  	[sflag:s16] =	ssyncadd.s32 $0xFFFF3800  }
0x189: {  	[tilespmem:s2], [sflag:$0x1] =	stream.linear.gather [hbm4b:s13+s2], $0xC800, $0x38;
	[tilespmem:$0x19000] =	vst v63  }
0x18a: {  	_ =	swait.ge [sflag:s14], $0xC800  }
0x18b: {  	[sflag:s14] =	ssyncset.done $0x0  }
0x18c: {  	[sflag:s14] =	ssyncadd.s32 $0xFFFF3800  }
0x18d: {  	[hbm4b:s12+s2] =	stream.linear.scatter [tilespmem:s9], [sflag:$0x4], $0xC800, $0x38;
	[tilespmem:$0x19000] =	vst v63  }
0x18e: {  	_ =	swait.ge [sflag:s11], $0xC800  }
0x18f: {  	[sflag:s11] =	ssyncset.done $0x0  }
0x190: {  	[sflag:s11] =	ssyncadd.s32 $0xFFFF3800  }
0x191: {  	[tilespmem:s9], [sflag:$0x2] =	stream.linear.gather [hbm4b:s10+s2], $0xC800, $0x38;
	[tilespmem:$0x19000] =	vst v63  }
0x192: {  	_ =	swait.ge [sflag:s18], $0xC800  }
0x193: {  	[sflag:s18] =	ssyncset.done $0x0  }
0x194: {  	[sflag:s18] =	ssyncadd.s32 $0xFFFF3800  }
0x195: {  	[hbm4b:s8+s2] =	stream.linear.scatter [tilespmem:s2], [sflag:$0x3], $0xC800, $0x38;
	[tilespmem:$0x19000] =	vst v63  }
0x196: {  	_ =	swait.ge [sflag:s16], $0xC800  }
0x197: {  	[sflag:s16] =	ssyncset.done $0x0  }
0x198: {  	[sflag:s16] =	ssyncadd.s32 $0xFFFF3800  }
0x199: {  	[tilespmem:s2], [sflag:$0x1] =	stream.linear.gather [hbm4b:s7+s2], $0xC800, $0x38;
	[tilespmem:$0x19000] =	vst v63  }
0x19a: {  	_ =	swait.ge [sflag:s14], $0xC800  }
0x19b: {  	[sflag:s14] =	ssyncset.done $0x0  }
0x19c: {  	[sflag:s14] =	ssyncadd.s32 $0xFFFF3800  }
0x19d: {  	[hbm4b:s6+s2] =	stream.linear.scatter [tilespmem:s9], [sflag:$0x4], $0xC800, $0x38;
	[tilespmem:$0x19000] =	vst v63  }
0x19e: {  	_ =	swait.ge [sflag:s11], $0xC800  }
0x19f: {  	[sflag:s11] =	ssyncset.done $0x0  }
0x1a0: {  	s0 =	simm.s32 @p0 $0x1;
	[sflag:s11] =	ssyncadd.s32 $0xFFFF3800  }
0x1a1: {  	_ =	swait.ge @p0 [sflag:s0], $0xC800  }
0x1a2: {  	[sflag:s0] =	ssyncset.done @p0 $0x0  }
0x1a3: {  	[sflag:s0] =	ssyncadd.s32 @p0 $0xFFFF3800;
	s0 =	simm.s32 @p0 $0x0  }
0x1a4: {  	[hbm4b:s4+s0] =	stream.linear.scatter @p0 [tilespmem:s0], [sflag:$0x3], $0xC800, $0x38;
	[tilespmem:$0x19000] =	vst v63  }
0x1a5: {  	s1 =	simm.s32 @!p0 $0xC800;
	s2 =	simm.s32 @!p0 $0x1;
	s0 =	simm.s32 @!p0 $0x0  }
0x1a6: {  	[tilespmem:s1], [sflag:$0x2] =	stream.linear.gather @!p0 [hbm4b:s5+s0], $0xC800, $0x38;
	[tilespmem:$0x19000] =	vst v63  }
0x1a7: {  	_ =	swait.ge @!p0 [sflag:s2], $0xC800  }
0x1a8: {  	[sflag:s2] =	ssyncset.done @!p0 $0x0  }
0x1a9: {  	[sflag:s2] =	ssyncadd.s32 @!p0 $0xFFFF3800;
	s2 =	simm.s32 @!p0 $0x2  }
0x1aa: {  	[hbm4b:s4+s0] =	stream.linear.scatter @!p0 [tilespmem:s0], [sflag:$0x3], $0xC800, $0x38;
	[tilespmem:$0x19000] =	vst v63  }
0x1ab: {  	_ =	swait.ge @!p0 [sflag:s2], $0xC800  }
0x1ac: {  	[sflag:s2] =	ssyncset.done @!p0 $0x0  }
0x1ad: {  	[sflag:s2] =	ssyncadd.s32 @!p0 $0xFFFF3800;
	s2 =	simm.s32 @!p0 $0x3  }
0x1ae: {  	[hbm4b:s3+s0] =	stream.linear.scatter @!p0 [tilespmem:s1], [sflag:$0x4], $0xC800, $0x38;
	[tilespmem:$0x19000] =	vst v63  }
0x1af: {  	_ =	swait.ge @!p0 [sflag:s2], $0xC800  }
0x1b0: {  	s0 =	simm.s32 @!p0 $0x4;
	[sflag:s2] =	ssyncset.done @!p0 $0x0  }
0x1b1: {  	s0 =	simm.s32 @p0 $0x3;
	[sflag:s2] =	ssyncadd.s32 @!p0 $0xFFFF3800  }
0x1b2: {  	_ =	swait.ge [sflag:s0], $0xC800  }
0x1b3: {  	[sflag:s0] =	ssyncset.done $0x0  }
0x1b4: {  	[sflag:s0] =	ssyncadd.s32 $0xFFFF3800  }
0x1b5: {  	_ =	sfence.sel $0x180000  }
0x1b6: {  	[bflag:$0x0] =	sbarrier.arrive $0xFFFF  }
0x1b7: {  	p0 =	sne.s32 s23, $0x0;
	_ =	strace $0x90000047  }
0x1b8: {  	s0 =	sadd.s32 @!p0 $0x100000, s24;
	[bflag:$0x2] =	sbarrier.arrive $0xFFFF  }
0x1b9: {  	[sflag:s0] =	ssyncadd.tile.s32 @!p0 $0x1;
	_ =	shalt  }
.LBB2_1:
.Ltmp3:
0x1ba: {  	(pc) =	sbr.rel .LBB2_6-.Ltmp3, $2  }
0x1bb: {  	_ =	sdelay $0x2  }
0x1bc: {  	_ = 	snop  }
.LBB2_3:
.Ltmp4:
0x1bd: {  	(pc) =	sbr.rel .LBB2_6-.Ltmp4, $2  }
0x1be: {  	_ =	sdelay $0x2  }
0x1bf: {  	s23 =	stileid.u32;
	s24 =	rddreg [dreg:$0x2]  }
.Lfunc_end2:
_tile_overlayer_lowered:
.L_overlay_start_2:
0x1c0: {  	(tag) =	ssettag $0x2  }
0x1c1: {  	s0 =	rddreg [dreg:$0x0];
	s2 =	stileid.u32  }
0x1c2: {  	s1 =	rddreg [dreg:$0x1];
	p0 =	sne.s32 s2, $0x0  }
0x1c3: {  	s3 =	rddreg [dreg:$0x2];
	[bflag:$0x3] =	sbarrier.arrive $0xFFFF;
	s2 =	simm.s32 @!p0 $0x1C05  }
0x1c4: {  	[timem:s3], [sflag:s2] =	dma.local @!p0 [hbm:s0], s1  }
0x1c5: {  	s0 =	simm.s32 @!p0 $0x5  }
0x1c6: {  	_ =	swait.ge @!p0 [sflag:s0], s1  }
0x1c7: {  	s1 =	ssub.s32 @!p0 $0x0, s1;
	[sflag:s0] =	ssyncset.done @!p0 $0x0  }
0x1c8: {  	[sflag:s0] =	ssyncadd.s32 @!p0 s1  }
0x1c9: {  	[bflag:$0x3] =	sbarrier.arrive $0xFFFF  }
0x1ca: {  	_ =	shalt  }

</sc_bundles>
